<compile_context>
chip_gen: v7x
topology: tpu7x:2x2x1
jax: 0.10.2.dev20260603
libtpu: 0.0.44.dev20260713+nightly
codegen_flags: <defaults>
</compile_context>

<pallas_src>
import functools

import jax
import jax.numpy as jnp
from jax import lax
from jax.experimental import pallas as pl
from jax.experimental.pallas import tpu as pltpu
from jax.experimental.pallas import tpu_sc as plsc

L = 16384
D = 32
PAD = 64
PL = L + 192
NLANE = 16
UNROLL = 8


def _nms_body(x_hbm, out_hbm, xb, vb, kb, ab, bb, flag):
    nc = 2
    wid = lax.axis_index("s") * nc + lax.axis_index("c")
    b = wid % 8
    pltpu.sync_copy(x_hbm.at[b, 0], xb.at[pl.ds(PAD, L)])

    neg1 = jnp.full((NLANE,), -1.0, dtype=jnp.float32)
    zero = jnp.zeros((NLANE,), dtype=jnp.float32)

    @plsc.parallel_loop(0, PL, step=NLANE, unroll=4)
    def _(j):
        ab[pl.ds(j, NLANE)] = neg1
        bb[pl.ds(j, NLANE)] = neg1
        kb[pl.ds(j, NLANE)] = zero

    @plsc.parallel_loop(0, PAD, step=NLANE, unroll=4)
    def _(j):
        vb[pl.ds(j, NLANE)] = neg1

    @plsc.parallel_loop(PAD + L, PL, step=NLANE, unroll=4)
    def _(j):
        vb[pl.ds(j, NLANE)] = neg1

    xb[pl.ds(PAD - NLANE, NLANE)] = jnp.full((NLANE,), jnp.inf, jnp.float32)
    xb[pl.ds(PAD + L, NLANE)] = jnp.full((NLANE,), -jnp.inf, jnp.float32)

    @plsc.parallel_loop(PAD, PAD + L, step=NLANE, unroll=UNROLL)
    def _(base):
        xm = xb[pl.ds(base - 1, NLANE)]
        xc = xb[pl.ds(base, NLANE)]
        xp = xb[pl.ds(base + 1, NLANE)]
        dxr = (xp - xc) > 0
        dxl = (xc - xm) <= 0
        ndxr = (xp - xc) <= 0
        ndxl = (xc - xm) > 0
        valley = dxr & dxl & (xc <= 0)
        peak = ndxr & ndxl & (xc > 0)
        ex = valley | peak
        vb[pl.ds(base, NLANE)] = jnp.where(ex, jnp.abs(xc), -1.0)

    hi = PAD + L + 2 * D + 2 * NLANE

    def run64(src):
        bufs = [ab, bb]
        cur = src
        for p, s in enumerate((1, 2, 4, 8, 16, 32)):
            dst = bufs[p % 2]
            src_ref = cur

            @plsc.parallel_loop(D, hi, step=NLANE, unroll=UNROLL)
            def _(j, src_ref=src_ref, dst=dst, s=s):
                a = src_ref[pl.ds(j, NLANE)]
                c = src_ref[pl.ds(j + s, NLANE)]
                dst[pl.ds(j, NLANE)] = jnp.maximum(a, c)

            cur = dst
        return cur

    def round_body():
        r64 = run64(vb)

        @plsc.parallel_loop(PAD, PAD + L, step=NLANE, unroll=UNROLL)
        def _(i0):
            w = jnp.maximum(r64[pl.ds(i0 - D, NLANE)], vb[pl.ds(i0 + D, NLANE)])
            v = vb[pl.ds(i0, NLANE)]
            kn = (v >= 0) & (v >= w)
            kb[pl.ds(i0, NLANE)] = jnp.where(kn, 1.0, kb[pl.ds(i0, NLANE)])

        r64k = run64(kb)

        @plsc.parallel_loop(PAD, PAD + L, step=NLANE, unroll=UNROLL, carry=neg1)
        def acc(i0, acc_in):
            s = jnp.maximum(r64k[pl.ds(i0 - D, NLANE)], kb[pl.ds(i0 + D, NLANE)])
            v = vb[pl.ds(i0, NLANE)]
            vn = jnp.where(s > 0, -1.0, v)
            vb[pl.ds(i0, NLANE)] = vn
            return jnp.maximum(acc_in, vn)

        m = acc[0]
        for i in range(1, NLANE):
            m = jnp.maximum(m, acc[i])
        flag[0] = (m >= 0).astype(jnp.int32)

    flag[0] = jnp.int32(1)

    def outer(r, carry):
        @pl.when(flag[0] > 0)
        def _():
            round_body()

        return carry

    lax.fori_loop(0, 64, outer, 0)

    @plsc.parallel_loop(PAD, PAD + L, step=NLANE, unroll=UNROLL)
    def _(i0):
        o = jnp.where(kb[pl.ds(i0, NLANE)] > 0, xb[pl.ds(i0, NLANE)], 0.0)
        ab[pl.ds(i0, NLANE)] = o

    @pl.when(wid < 8)
    def _():
        pltpu.sync_copy(ab.at[pl.ds(PAD, L)], out_hbm.at[b, 0])


@jax.jit
def _nms(input_):
    mesh = plsc.VectorSubcoreMesh(core_axis_name="c", subcore_axis_name="s")
    f32 = jnp.float32
    return pl.kernel(
        _nms_body,
        mesh=mesh,
        out_type=jax.ShapeDtypeStruct((8, 1, L), f32),
        scratch_types=[
            pltpu.VMEM((PL,), f32),
            pltpu.VMEM((PL,), f32),
            pltpu.VMEM((PL,), f32),
            pltpu.VMEM((PL,), f32),
            pltpu.VMEM((PL,), f32),
            pltpu.SMEM((1,), jnp.int32),
        ],
    )(input_)


def kernel(input_):
    return _nms(input_)

# --- scband reference (transcript-rebuilt; emitter-appended) ---
"""Pipeline reference for scband-extrema1-d-43800076484725 (READ-ONLY COPY).

The authoritative reference and input builder live on the scoring server;
editing this copy changes nothing except your own understanding.
"""

import jax, jax.numpy as jnp
import numpy as np

MIN_DIST = 32


def _primary_indices(x_np, d):
    # x_np: np.ndarray [B, 1, L]
    dx = x_np[:, :, 1:] - x_np[:, :, :-1]
    dx_padright_greater = np.pad(dx, ((0, 0), (0, 0), (0, 1))) > 0
    dx_padleft_less = np.pad(dx, ((0, 0), (0, 0), (1, 0))) <= 0
    sign = (1 - np.sign(x_np)).astype(bool)
    valleys = dx_padright_greater & dx_padleft_less & sign
    peaks = (~dx_padright_greater) & (~dx_padleft_less) & (~sign)
    extrema = (peaks | valleys)[:, 0, :]  # [B, L]
    B = x_np.shape[0]
    idx_list = []
    for b in range(B):
        e_ = extrema[b]
        extrema_indices = np.nonzero(e_)[0]
        vals = np.abs(x_np[b, 0, extrema_indices])
        order = np.argsort(-vals)  # descending by |value|
        srt = extrema_indices[order]
        sec = np.zeros(srt.shape[0], dtype=bool)
        for i in range(srt.shape[0]):
            if not sec[i]:
                m = (srt >= srt[i] - d) & (srt <= srt[i] + d)
                sec = sec | m
                sec[i] = False
        idx_list.append(srt[~sec])
    return idx_list


def setup_inputs(seed: int = 0) -> dict:
    key = jax.random.key(seed)
    input_ = jax.random.normal(key, (8, 1, 16384), dtype=jnp.float32)
    return {"input_": input_}


def reference(input_):
    # data-dependent greedy 1D non-maximum suppression of signal extrema
    x = input_[:, 0, :]  # [B, L]
    dx = x[:, 1:] - x[:, :-1]
    dx_padright_greater = jnp.pad(dx, ((0, 0), (0, 1))) > 0
    dx_padleft_less = jnp.pad(dx, ((0, 0), (1, 0))) <= 0
    sign = (1 - jnp.sign(x)).astype(bool)
    valleys = dx_padright_greater & dx_padleft_less & sign
    peaks = (~dx_padright_greater) & (~dx_padleft_less) & (~sign)
    extrema = peaks | valleys  # [B, L]
    L = x.shape[-1]
    d = MIN_DIST

    def per_batch(xb, eb):
        sort_key = jnp.where(eb, -jnp.abs(xb), jnp.inf)
        srt = jnp.argsort(sort_key)  # extrema first, descending by |value|
        sec0 = ~eb[srt]  # non-extrema start suppressed, never kept

        def body(i, sec):
            keep = jnp.logical_not(sec[i])
            m = (srt >= srt[i] - d) & (srt <= srt[i] + d)
            new_sec = (sec | m).at[i].set(False)
            return jnp.where(keep, new_sec, sec)

        sec = jax.lax.fori_loop(0, L, body, sec0)
        kept = jnp.logical_not(sec)
        out_b = jnp.zeros_like(xb).at[srt].set(
            jnp.where(kept, xb[srt], jnp.zeros_like(xb[srt]))
        )
        return out_b

    out = jax.vmap(per_batch)(x, extrema)
    return out[:, None, :]

if __name__ == "__main__":
    import jax
    _d = setup_inputs()
    print(jax.jit(kernel)(*tuple(_d.values())))

</pallas_src>

<mosaic_0001>
#map = affine_map<(d0, d1) -> (0, 0, 0)>
module attributes {stable_mosaic.version = 14 : i64} {
  func.func @_nms_body(%arg0: i32, %arg1: i32, %arg2: memref<8x1x16384xf32, #tpu.memory_space<hbm>>, %arg3: memref<8x1x16384xf32, #tpu.memory_space<hbm>>, %arg4: memref<16576xf32, #tpu.memory_space<vmem>>, %arg5: memref<16576xf32, #tpu.memory_space<vmem>>, %arg6: memref<16576xf32, #tpu.memory_space<vmem>>, %arg7: memref<16576xf32, #tpu.memory_space<vmem>>, %arg8: memref<16576xf32, #tpu.memory_space<vmem>>, %arg9: memref<1xi32, #tpu.memory_space<smem>>) attributes {dimension_semantics = [#tpu.dimension_semantics<core_parallel>, #tpu.dimension_semantics<subcore_parallel>], iteration_bounds = array<i64: 2, 16>, scalar_prefetch = 0 : i64, scratch_operands = 6 : i64, tpu.core_type = #tpu.core_type<sc_vector_subcore>, window_params = [{transform_indices = #map}, {transform_indices = #map}]} {
    %mul3A = arith.constant 2 : i32
    %mul3A_0 = arith.muli %arg1, %mul3A : i32
    %add3A = arith.addi %mul3A_0, %arg0 : i32
    %jit3A = arith.constant 8 : i32
    %eq3A = arith.constant 0 : i32
    %eq3A_1 = arith.cmpi eq, %jit3A, %eq3A : i32
    %jit3A_2 = arith.constant 1 : i32
    %select_n3A = arith.select %eq3A_1, %jit3A_2, %jit3A : i32
    %rem3A = arith.remsi %add3A, %select_n3A : i32
    %ne3A = arith.constant 0 : i32
    %ne3A_3 = arith.cmpi ne, %rem3A, %ne3A : i32
    %lt3A = arith.constant 0 : i32
    %lt3A_4 = arith.cmpi slt, %rem3A, %lt3A : i32
    %lt3A_5 = arith.constant 0 : i32
    %lt3A_6 = arith.cmpi slt, %select_n3A, %lt3A_5 : i32
    %ne3A_7 = arith.xori %lt3A_4, %lt3A_6 : i1
    %and3A = arith.andi %ne3A_7, %ne3A_3 : i1
    %add3A_8 = arith.addi %rem3A, %select_n3A : i32
    %select_n3A_9 = arith.select %and3A, %add3A_8, %rem3A : i32
    %run_scoped3A = arith.constant 0 : i32
    "tpu.region"() ({
      %run_scoped3A_50 = tpu.sem_alloc : memref<!tpu.dma_semaphore, #tpu.memory_space<semaphore_mem>>
      %dma_start3A = arith.constant 64 : i32
      %dma_start3A_51 = tpu.memref_slice %arg4[%dma_start3A] : memref<16576xf32, #tpu.memory_space<vmem>> -> memref<16384xf32, #tpu.memory_space<vmem>>
      %dma_start3A_52 = arith.constant 0 : i32
      %dma_start3A_53 = tpu.memref_slice %arg2[%select_n3A_9, %run_scoped3A, %dma_start3A_52] : memref<8x1x16384xf32, #tpu.memory_space<hbm>> -> memref<1x1x16384xf32, #tpu.memory_space<hbm>>
      %dma_start3A_54 = tpu.memref_squeeze %dma_start3A_53 : memref<1x1x16384xf32, #tpu.memory_space<hbm>> -> memref<16384xf32, #tpu.memory_space<hbm>>
      %dma_start3A_55 = arith.constant 64 : i32
      %dma_start3A_56 = tpu.memref_slice %arg4[%dma_start3A_55] : memref<16576xf32, #tpu.memory_space<vmem>> -> memref<16384xf32, #tpu.memory_space<vmem>>
      %dma_start3A_57 = arith.constant 0 : i32
      %dma_start3A_58 = tpu.memref_slice %arg2[%select_n3A_9, %run_scoped3A, %dma_start3A_57] : memref<8x1x16384xf32, #tpu.memory_space<hbm>> -> memref<1x1x16384xf32, #tpu.memory_space<hbm>>
      %dma_start3A_59 = tpu.memref_squeeze %dma_start3A_58 : memref<1x1x16384xf32, #tpu.memory_space<hbm>> -> memref<16384xf32, #tpu.memory_space<hbm>>
      tpu.enqueue_dma source(%dma_start3A_59 : memref<16384xf32, #tpu.memory_space<hbm>>) target(%dma_start3A_56 : memref<16384xf32, #tpu.memory_space<vmem>>) target_semaphore(%run_scoped3A_50 : memref<!tpu.dma_semaphore, #tpu.memory_space<semaphore_mem>>)
      %dma_wait3A = arith.constant 64 : i32
      %dma_wait3A_60 = tpu.memref_slice %arg4[%dma_wait3A] : memref<16576xf32, #tpu.memory_space<vmem>> -> memref<16384xf32, #tpu.memory_space<vmem>>
      %dma_wait3A_61 = arith.constant 0 : i32
      %dma_wait3A_62 = tpu.memref_slice %arg2[%select_n3A_9, %run_scoped3A, %dma_wait3A_61] : memref<8x1x16384xf32, #tpu.memory_space<hbm>> -> memref<1x1x16384xf32, #tpu.memory_space<hbm>>
      %dma_wait3A_63 = tpu.memref_squeeze %dma_wait3A_62 : memref<1x1x16384xf32, #tpu.memory_space<hbm>> -> memref<16384xf32, #tpu.memory_space<hbm>>
      %dma_wait3A_64 = arith.constant 64 : i32
      %dma_wait3A_65 = tpu.memref_slice %arg4[%dma_wait3A_64] : memref<16576xf32, #tpu.memory_space<vmem>> -> memref<16384xf32, #tpu.memory_space<vmem>>
      %dma_wait3A_66 = arith.constant 0 : i32
      %dma_wait3A_67 = tpu.memref_slice %arg2[%select_n3A_9, %run_scoped3A, %dma_wait3A_66] : memref<8x1x16384xf32, #tpu.memory_space<hbm>> -> memref<1x1x16384xf32, #tpu.memory_space<hbm>>
      %dma_wait3A_68 = tpu.memref_squeeze %dma_wait3A_67 : memref<1x1x16384xf32, #tpu.memory_space<hbm>> -> memref<16384xf32, #tpu.memory_space<hbm>>
      tpu.wait_dma2 semaphore(%run_scoped3A_50 : memref<!tpu.dma_semaphore, #tpu.memory_space<semaphore_mem>>) src(%dma_wait3A_68 : memref<16384xf32, #tpu.memory_space<hbm>>) dst(%dma_wait3A_65 : memref<16384xf32, #tpu.memory_space<vmem>>)
      tpu.yield
    }) : () -> ()
    %broadcast_in_dim3A = arith.constant -1.000000e+00 : f32
    %broadcast_in_dim3A_10 = vector.broadcast %broadcast_in_dim3A : f32 to vector<16xf32>
    %broadcast_in_dim3A_11 = arith.constant 0.000000e+00 : f32
    %broadcast_in_dim3A_12 = vector.broadcast %broadcast_in_dim3A_11 : f32 to vector<16xf32>
    %parallel_loop3A = arith.constant 0 : i32
    %parallel_loop3A_13 = arith.constant 16576 : i32
    %parallel_loop3A_14 = arith.constant 16 : i32
    scf.for %parallel_loop3A_50 = %parallel_loop3A to %parallel_loop3A_13 step %parallel_loop3A_14  : i32 {
      %parallel_loop3A_51 = arith.index_cast %parallel_loop3A_50 : i32 to index
      %parallel_loop3A_52 = tpu.vector_load %arg7[%parallel_loop3A_51] {strides = array<i32>} : memref<16576xf32, #tpu.memory_space<vmem>>, vector<16xf32>,
      %parallel_loop3A_53 = vector.shape_cast %parallel_loop3A_52 : vector<16xf32> to vector<16xf32>
      %parallel_loop3A_54 = vector.shape_cast %broadcast_in_dim3A_10 : vector<16xf32> to vector<16xf32>
      tpu.vector_store %arg7[%parallel_loop3A_51], %parallel_loop3A_54 {strides = array<i32>} : memref<16576xf32, #tpu.memory_space<vmem>>, vector<16xf32>,
      %parallel_loop3A_55 = arith.index_cast %parallel_loop3A_50 : i32 to index
      %parallel_loop3A_56 = tpu.vector_load %arg8[%parallel_loop3A_55] {strides = array<i32>} : memref<16576xf32, #tpu.memory_space<vmem>>, vector<16xf32>,
      %parallel_loop3A_57 = vector.shape_cast %parallel_loop3A_56 : vector<16xf32> to vector<16xf32>
      %parallel_loop3A_58 = vector.shape_cast %broadcast_in_dim3A_10 : vector<16xf32> to vector<16xf32>
      tpu.vector_store %arg8[%parallel_loop3A_55], %parallel_loop3A_58 {strides = array<i32>} : memref<16576xf32, #tpu.memory_space<vmem>>, vector<16xf32>,
      %parallel_loop3A_59 = arith.index_cast %parallel_loop3A_50 : i32 to index
      %parallel_loop3A_60 = tpu.vector_load %arg6[%parallel_loop3A_59] {strides = array<i32>} : memref<16576xf32, #tpu.memory_space<vmem>>, vector<16xf32>,
      %parallel_loop3A_61 = vector.shape_cast %parallel_loop3A_60 : vector<16xf32> to vector<16xf32>
      %parallel_loop3A_62 = vector.shape_cast %broadcast_in_dim3A_12 : vector<16xf32> to vector<16xf32>
      tpu.vector_store %arg6[%parallel_loop3A_59], %parallel_loop3A_62 {strides = array<i32>} : memref<16576xf32, #tpu.memory_space<vmem>>, vector<16xf32>,
    } {sc.loop_unroll_factor = 4 : i64, sc.parallel_access}
    %parallel_loop3A_15 = arith.constant 0 : i32
    %parallel_loop3A_16 = arith.constant 64 : i32
    %parallel_loop3A_17 = arith.constant 16 : i32
    scf.for %parallel_loop3A_50 = %parallel_loop3A_15 to %parallel_loop3A_16 step %parallel_loop3A_17  : i32 {
      %parallel_loop3A_51 = arith.index_cast %parallel_loop3A_50 : i32 to index
      %parallel_loop3A_52 = tpu.vector_load %arg5[%parallel_loop3A_51] {strides = array<i32>} : memref<16576xf32, #tpu.memory_space<vmem>>, vector<16xf32>,
      %parallel_loop3A_53 = vector.shape_cast %parallel_loop3A_52 : vector<16xf32> to vector<16xf32>
      %parallel_loop3A_54 = vector.shape_cast %broadcast_in_dim3A_10 : vector<16xf32> to vector<16xf32>
      tpu.vector_store %arg5[%parallel_loop3A_51], %parallel_loop3A_54 {strides = array<i32>} : memref<16576xf32, #tpu.memory_space<vmem>>, vector<16xf32>,
    } {sc.loop_unroll_factor = 4 : i64, sc.parallel_access}
    %parallel_loop3A_18 = arith.constant 16448 : i32
    %parallel_loop3A_19 = arith.constant 16576 : i32
    %parallel_loop3A_20 = arith.constant 16 : i32
    scf.for %parallel_loop3A_50 = %parallel_loop3A_18 to %parallel_loop3A_19 step %parallel_loop3A_20  : i32 {
      %parallel_loop3A_51 = arith.index_cast %parallel_loop3A_50 : i32 to index
      %parallel_loop3A_52 = tpu.vector_load %arg5[%parallel_loop3A_51] {strides = array<i32>} : memref<16576xf32, #tpu.memory_space<vmem>>, vector<16xf32>,
      %parallel_loop3A_53 = vector.shape_cast %parallel_loop3A_52 : vector<16xf32> to vector<16xf32>
      %parallel_loop3A_54 = vector.shape_cast %broadcast_in_dim3A_10 : vector<16xf32> to vector<16xf32>
      tpu.vector_store %arg5[%parallel_loop3A_51], %parallel_loop3A_54 {strides = array<i32>} : memref<16576xf32, #tpu.memory_space<vmem>>, vector<16xf32>,
    } {sc.loop_unroll_factor = 4 : i64, sc.parallel_access}
    %broadcast_in_dim3A_21 = arith.constant 0x7F800000 : f32
    %broadcast_in_dim3A_22 = vector.broadcast %broadcast_in_dim3A_21 : f32 to vector<16xf32>
    %swap3A = arith.constant 48 : index
    %swap3A_23 = tpu.vector_load %arg4[%swap3A] {strides = array<i32>} : memref<16576xf32, #tpu.memory_space<vmem>>, vector<16xf32>,
    %swap3A_24 = vector.shape_cast %swap3A_23 : vector<16xf32> to vector<16xf32>
    %swap3A_25 = vector.shape_cast %broadcast_in_dim3A_22 : vector<16xf32> to vector<16xf32>
    tpu.vector_store %arg4[%swap3A], %swap3A_25 {strides = array<i32>} : memref<16576xf32, #tpu.memory_space<vmem>>, vector<16xf32>,
    %broadcast_in_dim3A_26 = arith.constant 0xFF800000 : f32
    %broadcast_in_dim3A_27 = vector.broadcast %broadcast_in_dim3A_26 : f32 to vector<16xf32>
    %swap3A_28 = arith.constant 16448 : index
    %swap3A_29 = tpu.vector_load %arg4[%swap3A_28] {strides = array<i32>} : memref<16576xf32, #tpu.memory_space<vmem>>, vector<16xf32>,
    %swap3A_30 = vector.shape_cast %swap3A_29 : vector<16xf32> to vector<16xf32>
    %swap3A_31 = vector.shape_cast %broadcast_in_dim3A_27 : vector<16xf32> to vector<16xf32>
    tpu.vector_store %arg4[%swap3A_28], %swap3A_31 {strides = array<i32>} : memref<16576xf32, #tpu.memory_space<vmem>>, vector<16xf32>,
    %parallel_loop3A_32 = arith.constant 64 : i32
    %parallel_loop3A_33 = arith.constant 16448 : i32
    %parallel_loop3A_34 = arith.constant 16 : i32
    scf.for %parallel_loop3A_50 = %parallel_loop3A_32 to %parallel_loop3A_33 step %parallel_loop3A_34  : i32 {
      %parallel_loop3A_51 = arith.constant 1 : i32
      %parallel_loop3A_52 = arith.subi %parallel_loop3A_50, %parallel_loop3A_51 : i32
      %parallel_loop3A_53 = arith.index_cast %parallel_loop3A_52 : i32 to index
      %parallel_loop3A_54 = tpu.vector_load %arg4[%parallel_loop3A_53] {strides = array<i32>} : memref<16576xf32, #tpu.memory_space<vmem>>, vector<16xf32>,
      %parallel_loop3A_55 = vector.shape_cast %parallel_loop3A_54 : vector<16xf32> to vector<16xf32>
      %parallel_loop3A_56 = arith.index_cast %parallel_loop3A_50 : i32 to index
      %parallel_loop3A_57 = tpu.vector_load %arg4[%parallel_loop3A_56] {strides = array<i32>} : memref<16576xf32, #tpu.memory_space<vmem>>, vector<16xf32>,
      %parallel_loop3A_58 = vector.shape_cast %parallel_loop3A_57 : vector<16xf32> to vector<16xf32>
      %parallel_loop3A_59 = arith.constant 1 : i32
      %parallel_loop3A_60 = arith.addi %parallel_loop3A_50, %parallel_loop3A_59 : i32
      %parallel_loop3A_61 = arith.index_cast %parallel_loop3A_60 : i32 to index
      %parallel_loop3A_62 = tpu.vector_load %arg4[%parallel_loop3A_61] {strides = array<i32>} : memref<16576xf32, #tpu.memory_space<vmem>>, vector<16xf32>,
      %parallel_loop3A_63 = vector.shape_cast %parallel_loop3A_62 : vector<16xf32> to vector<16xf32>
      %parallel_loop3A_64 = arith.subf %parallel_loop3A_63, %parallel_loop3A_58 : vector<16xf32>
      %parallel_loop3A_65 = arith.constant 0.000000e+00 : f32
      %parallel_loop3A_66 = vector.broadcast %parallel_loop3A_65 : f32 to vector<16xf32>
      %parallel_loop3A_67 = arith.cmpf ogt, %parallel_loop3A_64, %parallel_loop3A_66 : vector<16xf32>
      %parallel_loop3A_68 = arith.subf %parallel_loop3A_58, %parallel_loop3A_55 : vector<16xf32>
      %parallel_loop3A_69 = arith.constant 0.000000e+00 : f32
      %parallel_loop3A_70 = vector.broadcast %parallel_loop3A_69 : f32 to vector<16xf32>
      %parallel_loop3A_71 = arith.cmpf ole, %parallel_loop3A_68, %parallel_loop3A_70 : vector<16xf32>
      %parallel_loop3A_72 = arith.subf %parallel_loop3A_63, %parallel_loop3A_58 : vector<16xf32>
      %parallel_loop3A_73 = arith.constant 0.000000e+00 : f32
      %parallel_loop3A_74 = vector.broadcast %parallel_loop3A_73 : f32 to vector<16xf32>
      %parallel_loop3A_75 = arith.cmpf ole, %parallel_loop3A_72, %parallel_loop3A_74 : vector<16xf32>
      %parallel_loop3A_76 = arith.subf %parallel_loop3A_58, %parallel_loop3A_55 : vector<16xf32>
      %parallel_loop3A_77 = arith.constant 0.000000e+00 : f32
      %parallel_loop3A_78 = vector.broadcast %parallel_loop3A_77 : f32 to vector<16xf32>
      %parallel_loop3A_79 = arith.cmpf ogt, %parallel_loop3A_76, %parallel_loop3A_78 : vector<16xf32>
      %parallel_loop3A_80 = arith.andi %parallel_loop3A_67, %parallel_loop3A_71 : vector<16xi1>
      %parallel_loop3A_81 = arith.constant 0.000000e+00 : f32
      %parallel_loop3A_82 = vector.broadcast %parallel_loop3A_81 : f32 to vector<16xf32>
      %parallel_loop3A_83 = arith.cmpf ole, %parallel_loop3A_58, %parallel_loop3A_82 : vector<16xf32>
      %parallel_loop3A_84 = arith.andi %parallel_loop3A_80, %parallel_loop3A_83 : vector<16xi1>
      %parallel_loop3A_85 = arith.andi %parallel_loop3A_75, %parallel_loop3A_79 : vector<16xi1>
      %parallel_loop3A_86 = arith.constant 0.000000e+00 : f32
      %parallel_loop3A_87 = vector.broadcast %parallel_loop3A_86 : f32 to vector<16xf32>
      %parallel_loop3A_88 = arith.cmpf ogt, %parallel_loop3A_58, %parallel_loop3A_87 : vector<16xf32>
      %parallel_loop3A_89 = arith.andi %parallel_loop3A_85, %parallel_loop3A_88 : vector<16xi1>
      %parallel_loop3A_90 = arith.ori %parallel_loop3A_84, %parallel_loop3A_89 : vector<16xi1>
      %parallel_loop3A_91 = math.absf %parallel_loop3A_58 : vector<16xf32>
      %parallel_loop3A_92 = arith.constant -1.000000e+00 : f32
      %parallel_loop3A_93 = vector.broadcast %parallel_loop3A_92 : f32 to vector<16xf32>
      %parallel_loop3A_94 = arith.select %parallel_loop3A_90, %parallel_loop3A_91, %parallel_loop3A_93 : vector<16xi1>, vector<16xf32>
      %parallel_loop3A_95 = arith.index_cast %parallel_loop3A_50 : i32 to index
      %parallel_loop3A_96 = tpu.vector_load %arg5[%parallel_loop3A_95] {strides = array<i32>} : memref<16576xf32, #tpu.memory_space<vmem>>, vector<16xf32>,
      %parallel_loop3A_97 = vector.shape_cast %parallel_loop3A_96 : vector<16xf32> to vector<16xf32>
      %parallel_loop3A_98 = vector.shape_cast %parallel_loop3A_94 : vector<16xf32> to vector<16xf32>
      tpu.vector_store %arg5[%parallel_loop3A_95], %parallel_loop3A_98 {strides = array<i32>} : memref<16576xf32, #tpu.memory_space<vmem>>, vector<16xf32>,
    } {sc.loop_unroll_factor = 8 : i64, sc.parallel_access}
    %swap3A_35 = arith.constant 1 : i32
    %swap3A_36 = arith.constant 0 : i32
    %swap3A_37 = arith.index_cast %swap3A_36 : i32 to index
    %swap3A_38 = memref.load %arg9[%swap3A_37] : memref<1xi32, #tpu.memory_space<smem>>
    memref.store %swap3A_35, %arg9[%swap3A_37] : memref<1xi32, #tpu.memory_space<smem>>
    %scan3A = arith.constant 0 : i32
    %scan3A_39 = arith.constant 0 : i32
    %scan3A_40 = arith.constant 64 : i32
    %scan3A_41 = arith.addi %scan3A_39, %scan3A_40 : i32
    %scan3A_42 = arith.constant 1 : i32
    scf.for %scan3A_50 = %scan3A_39 to %scan3A_41 step %scan3A_42  : i32 {
      %get3A = arith.constant 0 : i32
      %get3A_51 = arith.index_cast %get3A : i32 to index
      %get3A_52 = memref.load %arg9[%get3A_51] : memref<1xi32, #tpu.memory_space<smem>>
      %gt3A = arith.constant 0 : i32
      %gt3A_53 = arith.cmpi sgt, %get3A_52, %gt3A : i32
      %convert_element_type3A_54 = arith.extui %gt3A_53 : i1 to i32
      %cond3A_55 = arith.constant 0 : i32
      %cond3A_56 = arith.cmpi ne, %convert_element_type3A_54, %cond3A_55 : i32
      scf.if %cond3A_56 {
        %parallel_loop3A_57 = arith.constant 32 : i32
        %parallel_loop3A_58 = arith.constant 16544 : i32
        %parallel_loop3A_59 = arith.constant 16 : i32
        scf.for %parallel_loop3A_149 = %parallel_loop3A_57 to %parallel_loop3A_58 step %parallel_loop3A_59  : i32 {
          %parallel_loop3A_150 = arith.index_cast %parallel_loop3A_149 : i32 to index
          %parallel_loop3A_151 = tpu.vector_load %arg5[%parallel_loop3A_150] {strides = array<i32>} : memref<16576xf32, #tpu.memory_space<vmem>>, vector<16xf32>,
          %parallel_loop3A_152 = vector.shape_cast %parallel_loop3A_151 : vector<16xf32> to vector<16xf32>
          %parallel_loop3A_153 = arith.constant 1 : i32
          %parallel_loop3A_154 = arith.addi %parallel_loop3A_149, %parallel_loop3A_153 : i32
          %parallel_loop3A_155 = arith.index_cast %parallel_loop3A_154 : i32 to index
          %parallel_loop3A_156 = tpu.vector_load %arg5[%parallel_loop3A_155] {strides = array<i32>} : memref<16576xf32, #tpu.memory_space<vmem>>, vector<16xf32>,
          %parallel_loop3A_157 = vector.shape_cast %parallel_loop3A_156 : vector<16xf32> to vector<16xf32>
          %parallel_loop3A_158 = arith.maximumf %parallel_loop3A_152, %parallel_loop3A_157 : vector<16xf32>
          %parallel_loop3A_159 = arith.index_cast %parallel_loop3A_149 : i32 to index
          %parallel_loop3A_160 = tpu.vector_load %arg7[%parallel_loop3A_159] {strides = array<i32>} : memref<16576xf32, #tpu.memory_space<vmem>>, vector<16xf32>,
          %parallel_loop3A_161 = vector.shape_cast %parallel_loop3A_160 : vector<16xf32> to vector<16xf32>
          %parallel_loop3A_162 = vector.shape_cast %parallel_loop3A_158 : vector<16xf32> to vector<16xf32>
          tpu.vector_store %arg7[%parallel_loop3A_159], %parallel_loop3A_162 {strides = array<i32>} : memref<16576xf32, #tpu.memory_space<vmem>>, vector<16xf32>,
        } {sc.loop_unroll_factor = 8 : i64, sc.parallel_access}
        %parallel_loop3A_60 = arith.constant 32 : i32
        %parallel_loop3A_61 = arith.constant 16544 : i32
        %parallel_loop3A_62 = arith.constant 16 : i32
        scf.for %parallel_loop3A_149 = %parallel_loop3A_60 to %parallel_loop3A_61 step %parallel_loop3A_62  : i32 {
          %parallel_loop3A_150 = arith.index_cast %parallel_loop3A_149 : i32 to index
          %parallel_loop3A_151 = tpu.vector_load %arg7[%parallel_loop3A_150] {strides = array<i32>} : memref<16576xf32, #tpu.memory_space<vmem>>, vector<16xf32>,
          %parallel_loop3A_152 = vector.shape_cast %parallel_loop3A_151 : vector<16xf32> to vector<16xf32>
          %parallel_loop3A_153 = arith.constant 2 : i32
          %parallel_loop3A_154 = arith.addi %parallel_loop3A_149, %parallel_loop3A_153 : i32
          %parallel_loop3A_155 = arith.index_cast %parallel_loop3A_154 : i32 to index
          %parallel_loop3A_156 = tpu.vector_load %arg7[%parallel_loop3A_155] {strides = array<i32>} : memref<16576xf32, #tpu.memory_space<vmem>>, vector<16xf32>,
          %parallel_loop3A_157 = vector.shape_cast %parallel_loop3A_156 : vector<16xf32> to vector<16xf32>
          %parallel_loop3A_158 = arith.maximumf %parallel_loop3A_152, %parallel_loop3A_157 : vector<16xf32>
          %parallel_loop3A_159 = arith.index_cast %parallel_loop3A_149 : i32 to index
          %parallel_loop3A_160 = tpu.vector_load %arg8[%parallel_loop3A_159] {strides = array<i32>} : memref<16576xf32, #tpu.memory_space<vmem>>, vector<16xf32>,
          %parallel_loop3A_161 = vector.shape_cast %parallel_loop3A_160 : vector<16xf32> to vector<16xf32>
          %parallel_loop3A_162 = vector.shape_cast %parallel_loop3A_158 : vector<16xf32> to vector<16xf32>
          tpu.vector_store %arg8[%parallel_loop3A_159], %parallel_loop3A_162 {strides = array<i32>} : memref<16576xf32, #tpu.memory_space<vmem>>, vector<16xf32>,
        } {sc.loop_unroll_factor = 8 : i64, sc.parallel_access}
        %parallel_loop3A_63 = arith.constant 32 : i32
        %parallel_loop3A_64 = arith.constant 16544 : i32
        %parallel_loop3A_65 = arith.constant 16 : i32
        scf.for %parallel_loop3A_149 = %parallel_loop3A_63 to %parallel_loop3A_64 step %parallel_loop3A_65  : i32 {
          %parallel_loop3A_150 = arith.index_cast %parallel_loop3A_149 : i32 to index
          %parallel_loop3A_151 = tpu.vector_load %arg8[%parallel_loop3A_150] {strides = array<i32>} : memref<16576xf32, #tpu.memory_space<vmem>>, vector<16xf32>,
          %parallel_loop3A_152 = vector.shape_cast %parallel_loop3A_151 : vector<16xf32> to vector<16xf32>
          %parallel_loop3A_153 = arith.constant 4 : i32
          %parallel_loop3A_154 = arith.addi %parallel_loop3A_149, %parallel_loop3A_153 : i32
          %parallel_loop3A_155 = arith.index_cast %parallel_loop3A_154 : i32 to index
          %parallel_loop3A_156 = tpu.vector_load %arg8[%parallel_loop3A_155] {strides = array<i32>} : memref<16576xf32, #tpu.memory_space<vmem>>, vector<16xf32>,
          %parallel_loop3A_157 = vector.shape_cast %parallel_loop3A_156 : vector<16xf32> to vector<16xf32>
          %parallel_loop3A_158 = arith.maximumf %parallel_loop3A_152, %parallel_loop3A_157 : vector<16xf32>
          %parallel_loop3A_159 = arith.index_cast %parallel_loop3A_149 : i32 to index
          %parallel_loop3A_160 = tpu.vector_load %arg7[%parallel_loop3A_159] {strides = array<i32>} : memref<16576xf32, #tpu.memory_space<vmem>>, vector<16xf32>,
          %parallel_loop3A_161 = vector.shape_cast %parallel_loop3A_160 : vector<16xf32> to vector<16xf32>
          %parallel_loop3A_162 = vector.shape_cast %parallel_loop3A_158 : vector<16xf32> to vector<16xf32>
          tpu.vector_store %arg7[%parallel_loop3A_159], %parallel_loop3A_162 {strides = array<i32>} : memref<16576xf32, #tpu.memory_space<vmem>>, vector<16xf32>,
        } {sc.loop_unroll_factor = 8 : i64, sc.parallel_access}
        %parallel_loop3A_66 = arith.constant 32 : i32
        %parallel_loop3A_67 = arith.constant 16544 : i32
        %parallel_loop3A_68 = arith.constant 16 : i32
        scf.for %parallel_loop3A_149 = %parallel_loop3A_66 to %parallel_loop3A_67 step %parallel_loop3A_68  : i32 {
          %parallel_loop3A_150 = arith.index_cast %parallel_loop3A_149 : i32 to index
          %parallel_loop3A_151 = tpu.vector_load %arg7[%parallel_loop3A_150] {strides = array<i32>} : memref<16576xf32, #tpu.memory_space<vmem>>, vector<16xf32>,
          %parallel_loop3A_152 = vector.shape_cast %parallel_loop3A_151 : vector<16xf32> to vector<16xf32>
          %parallel_loop3A_153 = arith.constant 8 : i32
          %parallel_loop3A_154 = arith.addi %parallel_loop3A_149, %parallel_loop3A_153 : i32
          %parallel_loop3A_155 = arith.index_cast %parallel_loop3A_154 : i32 to index
          %parallel_loop3A_156 = tpu.vector_load %arg7[%parallel_loop3A_155] {strides = array<i32>} : memref<16576xf32, #tpu.memory_space<vmem>>, vector<16xf32>,
          %parallel_loop3A_157 = vector.shape_cast %parallel_loop3A_156 : vector<16xf32> to vector<16xf32>
          %parallel_loop3A_158 = arith.maximumf %parallel_loop3A_152, %parallel_loop3A_157 : vector<16xf32>
          %parallel_loop3A_159 = arith.index_cast %parallel_loop3A_149 : i32 to index
          %parallel_loop3A_160 = tpu.vector_load %arg8[%parallel_loop3A_159] {strides = array<i32>} : memref<16576xf32, #tpu.memory_space<vmem>>, vector<16xf32>,
          %parallel_loop3A_161 = vector.shape_cast %parallel_loop3A_160 : vector<16xf32> to vector<16xf32>
          %parallel_loop3A_162 = vector.shape_cast %parallel_loop3A_158 : vector<16xf32> to vector<16xf32>
          tpu.vector_store %arg8[%parallel_loop3A_159], %parallel_loop3A_162 {strides = array<i32>} : memref<16576xf32, #tpu.memory_space<vmem>>, vector<16xf32>,
        } {sc.loop_unroll_factor = 8 : i64, sc.parallel_access}
        %parallel_loop3A_69 = arith.constant 32 : i32
        %parallel_loop3A_70 = arith.constant 16544 : i32
        %parallel_loop3A_71 = arith.constant 16 : i32
        scf.for %parallel_loop3A_149 = %parallel_loop3A_69 to %parallel_loop3A_70 step %parallel_loop3A_71  : i32 {
          %parallel_loop3A_150 = arith.index_cast %parallel_loop3A_149 : i32 to index
          %parallel_loop3A_151 = tpu.vector_load %arg8[%parallel_loop3A_150] {strides = array<i32>} : memref<16576xf32, #tpu.memory_space<vmem>>, vector<16xf32>,
          %parallel_loop3A_152 = vector.shape_cast %parallel_loop3A_151 : vector<16xf32> to vector<16xf32>
          %parallel_loop3A_153 = arith.constant 16 : i32
          %parallel_loop3A_154 = arith.addi %parallel_loop3A_149, %parallel_loop3A_153 : i32
          %parallel_loop3A_155 = arith.index_cast %parallel_loop3A_154 : i32 to index
          %parallel_loop3A_156 = tpu.vector_load %arg8[%parallel_loop3A_155] {strides = array<i32>} : memref<16576xf32, #tpu.memory_space<vmem>>, vector<16xf32>,
          %parallel_loop3A_157 = vector.shape_cast %parallel_loop3A_156 : vector<16xf32> to vector<16xf32>
          %parallel_loop3A_158 = arith.maximumf %parallel_loop3A_152, %parallel_loop3A_157 : vector<16xf32>
          %parallel_loop3A_159 = arith.index_cast %parallel_loop3A_149 : i32 to index
          %parallel_loop3A_160 = tpu.vector_load %arg7[%parallel_loop3A_159] {strides = array<i32>} : memref<16576xf32, #tpu.memory_space<vmem>>, vector<16xf32>,
          %parallel_loop3A_161 = vector.shape_cast %parallel_loop3A_160 : vector<16xf32> to vector<16xf32>
          %parallel_loop3A_162 = vector.shape_cast %parallel_loop3A_158 : vector<16xf32> to vector<16xf32>
          tpu.vector_store %arg7[%parallel_loop3A_159], %parallel_loop3A_162 {strides = array<i32>} : memref<16576xf32, #tpu.memory_space<vmem>>, vector<16xf32>,
        } {sc.loop_unroll_factor = 8 : i64, sc.parallel_access}
        %parallel_loop3A_72 = arith.constant 32 : i32
        %parallel_loop3A_73 = arith.constant 16544 : i32
        %parallel_loop3A_74 = arith.constant 16 : i32
        scf.for %parallel_loop3A_149 = %parallel_loop3A_72 to %parallel_loop3A_73 step %parallel_loop3A_74  : i32 {
          %parallel_loop3A_150 = arith.index_cast %parallel_loop3A_149 : i32 to index
          %parallel_loop3A_151 = tpu.vector_load %arg7[%parallel_loop3A_150] {strides = array<i32>} : memref<16576xf32, #tpu.memory_space<vmem>>, vector<16xf32>,
          %parallel_loop3A_152 = vector.shape_cast %parallel_loop3A_151 : vector<16xf32> to vector<16xf32>
          %parallel_loop3A_153 = arith.constant 32 : i32
          %parallel_loop3A_154 = arith.addi %parallel_loop3A_149, %parallel_loop3A_153 : i32
          %parallel_loop3A_155 = arith.index_cast %parallel_loop3A_154 : i32 to index
          %parallel_loop3A_156 = tpu.vector_load %arg7[%parallel_loop3A_155] {strides = array<i32>} : memref<16576xf32, #tpu.memory_space<vmem>>, vector<16xf32>,
          %parallel_loop3A_157 = vector.shape_cast %parallel_loop3A_156 : vector<16xf32> to vector<16xf32>
          %parallel_loop3A_158 = arith.maximumf %parallel_loop3A_152, %parallel_loop3A_157 : vector<16xf32>
          %parallel_loop3A_159 = arith.index_cast %parallel_loop3A_149 : i32 to index
          %parallel_loop3A_160 = tpu.vector_load %arg8[%parallel_loop3A_159] {strides = array<i32>} : memref<16576xf32, #tpu.memory_space<vmem>>, vector<16xf32>,
          %parallel_loop3A_161 = vector.shape_cast %parallel_loop3A_160 : vector<16xf32> to vector<16xf32>
          %parallel_loop3A_162 = vector.shape_cast %parallel_loop3A_158 : vector<16xf32> to vector<16xf32>
          tpu.vector_store %arg8[%parallel_loop3A_159], %parallel_loop3A_162 {strides = array<i32>} : memref<16576xf32, #tpu.memory_space<vmem>>, vector<16xf32>,
        } {sc.loop_unroll_factor = 8 : i64, sc.parallel_access}
        %parallel_loop3A_75 = arith.constant 64 : i32
        %parallel_loop3A_76 = arith.constant 16448 : i32
        %parallel_loop3A_77 = arith.constant 16 : i32
        scf.for %parallel_loop3A_149 = %parallel_loop3A_75 to %parallel_loop3A_76 step %parallel_loop3A_77  : i32 {
          %parallel_loop3A_150 = arith.constant 32 : i32
          %parallel_loop3A_151 = arith.subi %parallel_loop3A_149, %parallel_loop3A_150 : i32
          %parallel_loop3A_152 = arith.index_cast %parallel_loop3A_151 : i32 to index
          %parallel_loop3A_153 = tpu.vector_load %arg8[%parallel_loop3A_152] {strides = array<i32>} : memref<16576xf32, #tpu.memory_space<vmem>>, vector<16xf32>,
          %parallel_loop3A_154 = vector.shape_cast %parallel_loop3A_153 : vector<16xf32> to vector<16xf32>
          %parallel_loop3A_155 = arith.constant 32 : i32
          %parallel_loop3A_156 = arith.addi %parallel_loop3A_149, %parallel_loop3A_155 : i32
          %parallel_loop3A_157 = arith.index_cast %parallel_loop3A_156 : i32 to index
          %parallel_loop3A_158 = tpu.vector_load %arg5[%parallel_loop3A_157] {strides = array<i32>} : memref<16576xf32, #tpu.memory_space<vmem>>, vector<16xf32>,
          %parallel_loop3A_159 = vector.shape_cast %parallel_loop3A_158 : vector<16xf32> to vector<16xf32>
          %parallel_loop3A_160 = arith.maximumf %parallel_loop3A_154, %parallel_loop3A_159 : vector<16xf32>
          %parallel_loop3A_161 = arith.index_cast %parallel_loop3A_149 : i32 to index
          %parallel_loop3A_162 = tpu.vector_load %arg5[%parallel_loop3A_161] {strides = array<i32>} : memref<16576xf32, #tpu.memory_space<vmem>>, vector<16xf32>,
          %parallel_loop3A_163 = vector.shape_cast %parallel_loop3A_162 : vector<16xf32> to vector<16xf32>
          %parallel_loop3A_164 = arith.constant 0.000000e+00 : f32
          %parallel_loop3A_165 = vector.broadcast %parallel_loop3A_164 : f32 to vector<16xf32>
          %parallel_loop3A_166 = arith.cmpf oge, %parallel_loop3A_163, %parallel_loop3A_165 : vector<16xf32>
          %parallel_loop3A_167 = arith.cmpf oge, %parallel_loop3A_163, %parallel_loop3A_160 : vector<16xf32>
          %parallel_loop3A_168 = arith.andi %parallel_loop3A_166, %parallel_loop3A_167 : vector<16xi1>
          %parallel_loop3A_169 = arith.index_cast %parallel_loop3A_149 : i32 to index
          %parallel_loop3A_170 = tpu.vector_load %arg6[%parallel_loop3A_169] {strides = array<i32>} : memref<16576xf32, #tpu.memory_space<vmem>>, vector<16xf32>,
          %parallel_loop3A_171 = vector.shape_cast %parallel_loop3A_170 : vector<16xf32> to vector<16xf32>
          %parallel_loop3A_172 = arith.constant 1.000000e+00 : f32
          %parallel_loop3A_173 = vector.broadcast %parallel_loop3A_172 : f32 to vector<16xf32>
          %parallel_loop3A_174 = arith.select %parallel_loop3A_168, %parallel_loop3A_173, %parallel_loop3A_171 : vector<16xi1>, vector<16xf32>
          %parallel_loop3A_175 = arith.index_cast %parallel_loop3A_149 : i32 to index
          %parallel_loop3A_176 = tpu.vector_load %arg6[%parallel_loop3A_175] {strides = array<i32>} : memref<16576xf32, #tpu.memory_space<vmem>>, vector<16xf32>,
          %parallel_loop3A_177 = vector.shape_cast %parallel_loop3A_176 : vector<16xf32> to vector<16xf32>
          %parallel_loop3A_178 = vector.shape_cast %parallel_loop3A_174 : vector<16xf32> to vector<16xf32>
          tpu.vector_store %arg6[%parallel_loop3A_175], %parallel_loop3A_178 {strides = array<i32>} : memref<16576xf32, #tpu.memory_space<vmem>>, vector<16xf32>,
        } {sc.loop_unroll_factor = 8 : i64, sc.parallel_access}
        %parallel_loop3A_78 = arith.constant 32 : i32
        %parallel_loop3A_79 = arith.constant 16544 : i32
        %parallel_loop3A_80 = arith.constant 16 : i32
        scf.for %parallel_loop3A_149 = %parallel_loop3A_78 to %parallel_loop3A_79 step %parallel_loop3A_80  : i32 {
          %parallel_loop3A_150 = arith.index_cast %parallel_loop3A_149 : i32 to index
          %parallel_loop3A_151 = tpu.vector_load %arg6[%parallel_loop3A_150] {strides = array<i32>} : memref<16576xf32, #tpu.memory_space<vmem>>, vector<16xf32>,
          %parallel_loop3A_152 = vector.shape_cast %parallel_loop3A_151 : vector<16xf32> to vector<16xf32>
          %parallel_loop3A_153 = arith.constant 1 : i32
          %parallel_loop3A_154 = arith.addi %parallel_loop3A_149, %parallel_loop3A_153 : i32
          %parallel_loop3A_155 = arith.index_cast %parallel_loop3A_154 : i32 to index
          %parallel_loop3A_156 = tpu.vector_load %arg6[%parallel_loop3A_155] {strides = array<i32>} : memref<16576xf32, #tpu.memory_space<vmem>>, vector<16xf32>,
          %parallel_loop3A_157 = vector.shape_cast %parallel_loop3A_156 : vector<16xf32> to vector<16xf32>
          %parallel_loop3A_158 = arith.maximumf %parallel_loop3A_152, %parallel_loop3A_157 : vector<16xf32>
          %parallel_loop3A_159 = arith.index_cast %parallel_loop3A_149 : i32 to index
          %parallel_loop3A_160 = tpu.vector_load %arg7[%parallel_loop3A_159] {strides = array<i32>} : memref<16576xf32, #tpu.memory_space<vmem>>, vector<16xf32>,
          %parallel_loop3A_161 = vector.shape_cast %parallel_loop3A_160 : vector<16xf32> to vector<16xf32>
          %parallel_loop3A_162 = vector.shape_cast %parallel_loop3A_158 : vector<16xf32> to vector<16xf32>
          tpu.vector_store %arg7[%parallel_loop3A_159], %parallel_loop3A_162 {strides = array<i32>} : memref<16576xf32, #tpu.memory_space<vmem>>, vector<16xf32>,
        } {sc.loop_unroll_factor = 8 : i64, sc.parallel_access}
        %parallel_loop3A_81 = arith.constant 32 : i32
        %parallel_loop3A_82 = arith.constant 16544 : i32
        %parallel_loop3A_83 = arith.constant 16 : i32
        scf.for %parallel_loop3A_149 = %parallel_loop3A_81 to %parallel_loop3A_82 step %parallel_loop3A_83  : i32 {
          %parallel_loop3A_150 = arith.index_cast %parallel_loop3A_149 : i32 to index
          %parallel_loop3A_151 = tpu.vector_load %arg7[%parallel_loop3A_150] {strides = array<i32>} : memref<16576xf32, #tpu.memory_space<vmem>>, vector<16xf32>,
          %parallel_loop3A_152 = vector.shape_cast %parallel_loop3A_151 : vector<16xf32> to vector<16xf32>
          %parallel_loop3A_153 = arith.constant 2 : i32
          %parallel_loop3A_154 = arith.addi %parallel_loop3A_149, %parallel_loop3A_153 : i32
          %parallel_loop3A_155 = arith.index_cast %parallel_loop3A_154 : i32 to index
          %parallel_loop3A_156 = tpu.vector_load %arg7[%parallel_loop3A_155] {strides = array<i32>} : memref<16576xf32, #tpu.memory_space<vmem>>, vector<16xf32>,
          %parallel_loop3A_157 = vector.shape_cast %parallel_loop3A_156 : vector<16xf32> to vector<16xf32>
          %parallel_loop3A_158 = arith.maximumf %parallel_loop3A_152, %parallel_loop3A_157 : vector<16xf32>
          %parallel_loop3A_159 = arith.index_cast %parallel_loop3A_149 : i32 to index
          %parallel_loop3A_160 = tpu.vector_load %arg8[%parallel_loop3A_159] {strides = array<i32>} : memref<16576xf32, #tpu.memory_space<vmem>>, vector<16xf32>,
          %parallel_loop3A_161 = vector.shape_cast %parallel_loop3A_160 : vector<16xf32> to vector<16xf32>
          %parallel_loop3A_162 = vector.shape_cast %parallel_loop3A_158 : vector<16xf32> to vector<16xf32>
          tpu.vector_store %arg8[%parallel_loop3A_159], %parallel_loop3A_162 {strides = array<i32>} : memref<16576xf32, #tpu.memory_space<vmem>>, vector<16xf32>,
        } {sc.loop_unroll_factor = 8 : i64, sc.parallel_access}
        %parallel_loop3A_84 = arith.constant 32 : i32
        %parallel_loop3A_85 = arith.constant 16544 : i32
        %parallel_loop3A_86 = arith.constant 16 : i32
        scf.for %parallel_loop3A_149 = %parallel_loop3A_84 to %parallel_loop3A_85 step %parallel_loop3A_86  : i32 {
          %parallel_loop3A_150 = arith.index_cast %parallel_loop3A_149 : i32 to index
          %parallel_loop3A_151 = tpu.vector_load %arg8[%parallel_loop3A_150] {strides = array<i32>} : memref<16576xf32, #tpu.memory_space<vmem>>, vector<16xf32>,
          %parallel_loop3A_152 = vector.shape_cast %parallel_loop3A_151 : vector<16xf32> to vector<16xf32>
          %parallel_loop3A_153 = arith.constant 4 : i32
          %parallel_loop3A_154 = arith.addi %parallel_loop3A_149, %parallel_loop3A_153 : i32
          %parallel_loop3A_155 = arith.index_cast %parallel_loop3A_154 : i32 to index
          %parallel_loop3A_156 = tpu.vector_load %arg8[%parallel_loop3A_155] {strides = array<i32>} : memref<16576xf32, #tpu.memory_space<vmem>>, vector<16xf32>,
          %parallel_loop3A_157 = vector.shape_cast %parallel_loop3A_156 : vector<16xf32> to vector<16xf32>
          %parallel_loop3A_158 = arith.maximumf %parallel_loop3A_152, %parallel_loop3A_157 : vector<16xf32>
          %parallel_loop3A_159 = arith.index_cast %parallel_loop3A_149 : i32 to index
          %parallel_loop3A_160 = tpu.vector_load %arg7[%parallel_loop3A_159] {strides = array<i32>} : memref<16576xf32, #tpu.memory_space<vmem>>, vector<16xf32>,
          %parallel_loop3A_161 = vector.shape_cast %parallel_loop3A_160 : vector<16xf32> to vector<16xf32>
          %parallel_loop3A_162 = vector.shape_cast %parallel_loop3A_158 : vector<16xf32> to vector<16xf32>
          tpu.vector_store %arg7[%parallel_loop3A_159], %parallel_loop3A_162 {strides = array<i32>} : memref<16576xf32, #tpu.memory_space<vmem>>, vector<16xf32>,
        } {sc.loop_unroll_factor = 8 : i64, sc.parallel_access}
        %parallel_loop3A_87 = arith.constant 32 : i32
        %parallel_loop3A_88 = arith.constant 16544 : i32
        %parallel_loop3A_89 = arith.constant 16 : i32
        scf.for %parallel_loop3A_149 = %parallel_loop3A_87 to %parallel_loop3A_88 step %parallel_loop3A_89  : i32 {
          %parallel_loop3A_150 = arith.index_cast %parallel_loop3A_149 : i32 to index
          %parallel_loop3A_151 = tpu.vector_load %arg7[%parallel_loop3A_150] {strides = array<i32>} : memref<16576xf32, #tpu.memory_space<vmem>>, vector<16xf32>,
          %parallel_loop3A_152 = vector.shape_cast %parallel_loop3A_151 : vector<16xf32> to vector<16xf32>
          %parallel_loop3A_153 = arith.constant 8 : i32
          %parallel_loop3A_154 = arith.addi %parallel_loop3A_149, %parallel_loop3A_153 : i32
          %parallel_loop3A_155 = arith.index_cast %parallel_loop3A_154 : i32 to index
          %parallel_loop3A_156 = tpu.vector_load %arg7[%parallel_loop3A_155] {strides = array<i32>} : memref<16576xf32, #tpu.memory_space<vmem>>, vector<16xf32>,
          %parallel_loop3A_157 = vector.shape_cast %parallel_loop3A_156 : vector<16xf32> to vector<16xf32>
          %parallel_loop3A_158 = arith.maximumf %parallel_loop3A_152, %parallel_loop3A_157 : vector<16xf32>
          %parallel_loop3A_159 = arith.index_cast %parallel_loop3A_149 : i32 to index
          %parallel_loop3A_160 = tpu.vector_load %arg8[%parallel_loop3A_159] {strides = array<i32>} : memref<16576xf32, #tpu.memory_space<vmem>>, vector<16xf32>,
          %parallel_loop3A_161 = vector.shape_cast %parallel_loop3A_160 : vector<16xf32> to vector<16xf32>
          %parallel_loop3A_162 = vector.shape_cast %parallel_loop3A_158 : vector<16xf32> to vector<16xf32>
          tpu.vector_store %arg8[%parallel_loop3A_159], %parallel_loop3A_162 {strides = array<i32>} : memref<16576xf32, #tpu.memory_space<vmem>>, vector<16xf32>,
        } {sc.loop_unroll_factor = 8 : i64, sc.parallel_access}
        %parallel_loop3A_90 = arith.constant 32 : i32
        %parallel_loop3A_91 = arith.constant 16544 : i32
        %parallel_loop3A_92 = arith.constant 16 : i32
        scf.for %parallel_loop3A_149 = %parallel_loop3A_90 to %parallel_loop3A_91 step %parallel_loop3A_92  : i32 {
          %parallel_loop3A_150 = arith.index_cast %parallel_loop3A_149 : i32 to index
          %parallel_loop3A_151 = tpu.vector_load %arg8[%parallel_loop3A_150] {strides = array<i32>} : memref<16576xf32, #tpu.memory_space<vmem>>, vector<16xf32>,
          %parallel_loop3A_152 = vector.shape_cast %parallel_loop3A_151 : vector<16xf32> to vector<16xf32>
          %parallel_loop3A_153 = arith.constant 16 : i32
          %parallel_loop3A_154 = arith.addi %parallel_loop3A_149, %parallel_loop3A_153 : i32
          %parallel_loop3A_155 = arith.index_cast %parallel_loop3A_154 : i32 to index
          %parallel_loop3A_156 = tpu.vector_load %arg8[%parallel_loop3A_155] {strides = array<i32>} : memref<16576xf32, #tpu.memory_space<vmem>>, vector<16xf32>,
          %parallel_loop3A_157 = vector.shape_cast %parallel_loop3A_156 : vector<16xf32> to vector<16xf32>
          %parallel_loop3A_158 = arith.maximumf %parallel_loop3A_152, %parallel_loop3A_157 : vector<16xf32>
          %parallel_loop3A_159 = arith.index_cast %parallel_loop3A_149 : i32 to index
          %parallel_loop3A_160 = tpu.vector_load %arg7[%parallel_loop3A_159] {strides = array<i32>} : memref<16576xf32, #tpu.memory_space<vmem>>, vector<16xf32>,
          %parallel_loop3A_161 = vector.shape_cast %parallel_loop3A_160 : vector<16xf32> to vector<16xf32>
          %parallel_loop3A_162 = vector.shape_cast %parallel_loop3A_158 : vector<16xf32> to vector<16xf32>
          tpu.vector_store %arg7[%parallel_loop3A_159], %parallel_loop3A_162 {strides = array<i32>} : memref<16576xf32, #tpu.memory_space<vmem>>, vector<16xf32>,
        } {sc.loop_unroll_factor = 8 : i64, sc.parallel_access}
        %parallel_loop3A_93 = arith.constant 32 : i32
        %parallel_loop3A_94 = arith.constant 16544 : i32
        %parallel_loop3A_95 = arith.constant 16 : i32
        scf.for %parallel_loop3A_149 = %parallel_loop3A_93 to %parallel_loop3A_94 step %parallel_loop3A_95  : i32 {
          %parallel_loop3A_150 = arith.index_cast %parallel_loop3A_149 : i32 to index
          %parallel_loop3A_151 = tpu.vector_load %arg7[%parallel_loop3A_150] {strides = array<i32>} : memref<16576xf32, #tpu.memory_space<vmem>>, vector<16xf32>,
          %parallel_loop3A_152 = vector.shape_cast %parallel_loop3A_151 : vector<16xf32> to vector<16xf32>
          %parallel_loop3A_153 = arith.constant 32 : i32
          %parallel_loop3A_154 = arith.addi %parallel_loop3A_149, %parallel_loop3A_153 : i32
          %parallel_loop3A_155 = arith.index_cast %parallel_loop3A_154 : i32 to index
          %parallel_loop3A_156 = tpu.vector_load %arg7[%parallel_loop3A_155] {strides = array<i32>} : memref<16576xf32, #tpu.memory_space<vmem>>, vector<16xf32>,
          %parallel_loop3A_157 = vector.shape_cast %parallel_loop3A_156 : vector<16xf32> to vector<16xf32>
          %parallel_loop3A_158 = arith.maximumf %parallel_loop3A_152, %parallel_loop3A_157 : vector<16xf32>
          %parallel_loop3A_159 = arith.index_cast %parallel_loop3A_149 : i32 to index
          %parallel_loop3A_160 = tpu.vector_load %arg8[%parallel_loop3A_159] {strides = array<i32>} : memref<16576xf32, #tpu.memory_space<vmem>>, vector<16xf32>,
          %parallel_loop3A_161 = vector.shape_cast %parallel_loop3A_160 : vector<16xf32> to vector<16xf32>
          %parallel_loop3A_162 = vector.shape_cast %parallel_loop3A_158 : vector<16xf32> to vector<16xf32>
          tpu.vector_store %arg8[%parallel_loop3A_159], %parallel_loop3A_162 {strides = array<i32>} : memref<16576xf32, #tpu.memory_space<vmem>>, vector<16xf32>,
        } {sc.loop_unroll_factor = 8 : i64, sc.parallel_access}
        %parallel_loop3A_96 = arith.constant 64 : i32
        %parallel_loop3A_97 = arith.constant 16448 : i32
        %parallel_loop3A_98 = arith.constant 16 : i32
        %parallel_loop3A_99 = scf.for %parallel_loop3A_149 = %parallel_loop3A_96 to %parallel_loop3A_97 step %parallel_loop3A_98 iter_args(%parallel_loop3A_150 = %broadcast_in_dim3A_10) -> (vector<16xf32>)  : i32 {
          %parallel_loop3A_151 = arith.constant 32 : i32
          %parallel_loop3A_152 = arith.subi %parallel_loop3A_149, %parallel_loop3A_151 : i32
          %parallel_loop3A_153 = arith.index_cast %parallel_loop3A_152 : i32 to index
          %parallel_loop3A_154 = tpu.vector_load %arg8[%parallel_loop3A_153] {strides = array<i32>} : memref<16576xf32, #tpu.memory_space<vmem>>, vector<16xf32>,
          %parallel_loop3A_155 = vector.shape_cast %parallel_loop3A_154 : vector<16xf32> to vector<16xf32>
          %parallel_loop3A_156 = arith.constant 32 : i32
          %parallel_loop3A_157 = arith.addi %parallel_loop3A_149, %parallel_loop3A_156 : i32
          %parallel_loop3A_158 = arith.index_cast %parallel_loop3A_157 : i32 to index
          %parallel_loop3A_159 = tpu.vector_load %arg6[%parallel_loop3A_158] {strides = array<i32>} : memref<16576xf32, #tpu.memory_space<vmem>>, vector<16xf32>,
          %parallel_loop3A_160 = vector.shape_cast %parallel_loop3A_159 : vector<16xf32> to vector<16xf32>
          %parallel_loop3A_161 = arith.maximumf %parallel_loop3A_155, %parallel_loop3A_160 : vector<16xf32>
          %parallel_loop3A_162 = arith.index_cast %parallel_loop3A_149 : i32 to index
          %parallel_loop3A_163 = tpu.vector_load %arg5[%parallel_loop3A_162] {strides = array<i32>} : memref<16576xf32, #tpu.memory_space<vmem>>, vector<16xf32>,
          %parallel_loop3A_164 = vector.shape_cast %parallel_loop3A_163 : vector<16xf32> to vector<16xf32>
          %parallel_loop3A_165 = arith.constant 0.000000e+00 : f32
          %parallel_loop3A_166 = vector.broadcast %parallel_loop3A_165 : f32 to vector<16xf32>
          %parallel_loop3A_167 = arith.cmpf ogt, %parallel_loop3A_161, %parallel_loop3A_166 : vector<16xf32>
          %parallel_loop3A_168 = arith.constant -1.000000e+00 : f32
          %parallel_loop3A_169 = vector.broadcast %parallel_loop3A_168 : f32 to vector<16xf32>
          %parallel_loop3A_170 = arith.select %parallel_loop3A_167, %parallel_loop3A_169, %parallel_loop3A_164 : vector<16xi1>, vector<16xf32>
          %parallel_loop3A_171 = arith.index_cast %parallel_loop3A_149 : i32 to index
          %parallel_loop3A_172 = tpu.vector_load %arg5[%parallel_loop3A_171] {strides = array<i32>} : memref<16576xf32, #tpu.memory_space<vmem>>, vector<16xf32>,
          %parallel_loop3A_173 = vector.shape_cast %parallel_loop3A_172 : vector<16xf32> to vector<16xf32>
          %parallel_loop3A_174 = vector.shape_cast %parallel_loop3A_170 : vector<16xf32> to vector<16xf32>
          tpu.vector_store %arg5[%parallel_loop3A_171], %parallel_loop3A_174 {strides = array<i32>} : memref<16576xf32, #tpu.memory_space<vmem>>, vector<16xf32>,
          %parallel_loop3A_175 = arith.maximumf %parallel_loop3A_150, %parallel_loop3A_170 : vector<16xf32>
          scf.yield %parallel_loop3A_175 : vector<16xf32>
        } {sc.loop_unroll_factor = 8 : i64, sc.parallel_access}
        %slice3A = vector.extract_strided_slice %parallel_loop3A_99 {offsets = [0], sizes = [1], strides = [1]} : vector<16xf32> to vector<1xf32>
        %squeeze3A = vector.extract %slice3A[0] : f32 from vector<1xf32>
        %slice3A_100 = vector.extract_strided_slice %parallel_loop3A_99 {offsets = [1], sizes = [1], strides = [1]} : vector<16xf32> to vector<1xf32>
        %squeeze3A_101 = vector.extract %slice3A_100[0] : f32 from vector<1xf32>
        %max3A = arith.maximumf %squeeze3A, %squeeze3A_101 : f32
        %slice3A_102 = vector.extract_strided_slice %parallel_loop3A_99 {offsets = [2], sizes = [1], strides = [1]} : vector<16xf32> to vector<1xf32>
        %squeeze3A_103 = vector.extract %slice3A_102[0] : f32 from vector<1xf32>
        %max3A_104 = arith.maximumf %max3A, %squeeze3A_103 : f32
        %slice3A_105 = vector.extract_strided_slice %parallel_loop3A_99 {offsets = [3], sizes = [1], strides = [1]} : vector<16xf32> to vector<1xf32>
        %squeeze3A_106 = vector.extract %slice3A_105[0] : f32 from vector<1xf32>
        %max3A_107 = arith.maximumf %max3A_104, %squeeze3A_106 : f32
        %slice3A_108 = vector.extract_strided_slice %parallel_loop3A_99 {offsets = [4], sizes = [1], strides = [1]} : vector<16xf32> to vector<1xf32>
        %squeeze3A_109 = vector.extract %slice3A_108[0] : f32 from vector<1xf32>
        %max3A_110 = arith.maximumf %max3A_107, %squeeze3A_109 : f32
        %slice3A_111 = vector.extract_strided_slice %parallel_loop3A_99 {offsets = [5], sizes = [1], strides = [1]} : vector<16xf32> to vector<1xf32>
        %squeeze3A_112 = vector.extract %slice3A_111[0] : f32 from vector<1xf32>
        %max3A_113 = arith.maximumf %max3A_110, %squeeze3A_112 : f32
        %slice3A_114 = vector.extract_strided_slice %parallel_loop3A_99 {offsets = [6], sizes = [1], strides = [1]} : vector<16xf32> to vector<1xf32>
        %squeeze3A_115 = vector.extract %slice3A_114[0] : f32 from vector<1xf32>
        %max3A_116 = arith.maximumf %max3A_113, %squeeze3A_115 : f32
        %slice3A_117 = vector.extract_strided_slice %parallel_loop3A_99 {offsets = [7], sizes = [1], strides = [1]} : vector<16xf32> to vector<1xf32>
        %squeeze3A_118 = vector.extract %slice3A_117[0] : f32 from vector<1xf32>
        %max3A_119 = arith.maximumf %max3A_116, %squeeze3A_118 : f32
        %slice3A_120 = vector.extract_strided_slice %parallel_loop3A_99 {offsets = [8], sizes = [1], strides = [1]} : vector<16xf32> to vector<1xf32>
        %squeeze3A_121 = vector.extract %slice3A_120[0] : f32 from vector<1xf32>
        %max3A_122 = arith.maximumf %max3A_119, %squeeze3A_121 : f32
        %slice3A_123 = vector.extract_strided_slice %parallel_loop3A_99 {offsets = [9], sizes = [1], strides = [1]} : vector<16xf32> to vector<1xf32>
        %squeeze3A_124 = vector.extract %slice3A_123[0] : f32 from vector<1xf32>
        %max3A_125 = arith.maximumf %max3A_122, %squeeze3A_124 : f32
        %slice3A_126 = vector.extract_strided_slice %parallel_loop3A_99 {offsets = [10], sizes = [1], strides = [1]} : vector<16xf32> to vector<1xf32>
        %squeeze3A_127 = vector.extract %slice3A_126[0] : f32 from vector<1xf32>
        %max3A_128 = arith.maximumf %max3A_125, %squeeze3A_127 : f32
        %slice3A_129 = vector.extract_strided_slice %parallel_loop3A_99 {offsets = [11], sizes = [1], strides = [1]} : vector<16xf32> to vector<1xf32>
        %squeeze3A_130 = vector.extract %slice3A_129[0] : f32 from vector<1xf32>
        %max3A_131 = arith.maximumf %max3A_128, %squeeze3A_130 : f32
        %slice3A_132 = vector.extract_strided_slice %parallel_loop3A_99 {offsets = [12], sizes = [1], strides = [1]} : vector<16xf32> to vector<1xf32>
        %squeeze3A_133 = vector.extract %slice3A_132[0] : f32 from vector<1xf32>
        %max3A_134 = arith.maximumf %max3A_131, %squeeze3A_133 : f32
        %slice3A_135 = vector.extract_strided_slice %parallel_loop3A_99 {offsets = [13], sizes = [1], strides = [1]} : vector<16xf32> to vector<1xf32>
        %squeeze3A_136 = vector.extract %slice3A_135[0] : f32 from vector<1xf32>
        %max3A_137 = arith.maximumf %max3A_134, %squeeze3A_136 : f32
        %slice3A_138 = vector.extract_strided_slice %parallel_loop3A_99 {offsets = [14], sizes = [1], strides = [1]} : vector<16xf32> to vector<1xf32>
        %squeeze3A_139 = vector.extract %slice3A_138[0] : f32 from vector<1xf32>
        %max3A_140 = arith.maximumf %max3A_137, %squeeze3A_139 : f32
        %slice3A_141 = vector.extract_strided_slice %parallel_loop3A_99 {offsets = [15], sizes = [1], strides = [1]} : vector<16xf32> to vector<1xf32>
        %squeeze3A_142 = vector.extract %slice3A_141[0] : f32 from vector<1xf32>
        %max3A_143 = arith.maximumf %max3A_140, %squeeze3A_142 : f32
        %ge3A = arith.constant 0.000000e+00 : f32
        %ge3A_144 = arith.cmpf oge, %max3A_143, %ge3A : f32
        %convert_element_type3A_145 = arith.extui %ge3A_144 : i1 to i32
        %swap3A_146 = arith.constant 0 : i32
        %swap3A_147 = arith.index_cast %swap3A_146 : i32 to index
        %swap3A_148 = memref.load %arg9[%swap3A_147] : memref<1xi32, #tpu.memory_space<smem>>
        memref.store %convert_element_type3A_145, %arg9[%swap3A_147] : memref<1xi32, #tpu.memory_space<smem>>
      } else {
      }
    }
    %scan3A_43 = arith.constant 64 : i32
    %parallel_loop3A_44 = arith.constant 64 : i32
    %parallel_loop3A_45 = arith.constant 16448 : i32
    %parallel_loop3A_46 = arith.constant 16 : i32
    scf.for %parallel_loop3A_50 = %parallel_loop3A_44 to %parallel_loop3A_45 step %parallel_loop3A_46  : i32 {
      %parallel_loop3A_51 = arith.index_cast %parallel_loop3A_50 : i32 to index
      %parallel_loop3A_52 = tpu.vector_load %arg6[%parallel_loop3A_51] {strides = array<i32>} : memref<16576xf32, #tpu.memory_space<vmem>>, vector<16xf32>,
      %parallel_loop3A_53 = vector.shape_cast %parallel_loop3A_52 : vector<16xf32> to vector<16xf32>
      %parallel_loop3A_54 = arith.constant 0.000000e+00 : f32
      %parallel_loop3A_55 = vector.broadcast %parallel_loop3A_54 : f32 to vector<16xf32>
      %parallel_loop3A_56 = arith.cmpf ogt, %parallel_loop3A_53, %parallel_loop3A_55 : vector<16xf32>
      %parallel_loop3A_57 = arith.index_cast %parallel_loop3A_50 : i32 to index
      %parallel_loop3A_58 = tpu.vector_load %arg4[%parallel_loop3A_57] {strides = array<i32>} : memref<16576xf32, #tpu.memory_space<vmem>>, vector<16xf32>,
      %parallel_loop3A_59 = vector.shape_cast %parallel_loop3A_58 : vector<16xf32> to vector<16xf32>
      %parallel_loop3A_60 = arith.constant 0.000000e+00 : f32
      %parallel_loop3A_61 = vector.broadcast %parallel_loop3A_60 : f32 to vector<16xf32>
      %parallel_loop3A_62 = arith.select %parallel_loop3A_56, %parallel_loop3A_59, %parallel_loop3A_61 : vector<16xi1>, vector<16xf32>
      %parallel_loop3A_63 = arith.index_cast %parallel_loop3A_50 : i32 to index
      %parallel_loop3A_64 = tpu.vector_load %arg7[%parallel_loop3A_63] {strides = array<i32>} : memref<16576xf32, #tpu.memory_space<vmem>>, vector<16xf32>,
      %parallel_loop3A_65 = vector.shape_cast %parallel_loop3A_64 : vector<16xf32> to vector<16xf32>
      %parallel_loop3A_66 = vector.shape_cast %parallel_loop3A_62 : vector<16xf32> to vector<16xf32>
      tpu.vector_store %arg7[%parallel_loop3A_63], %parallel_loop3A_66 {strides = array<i32>} : memref<16576xf32, #tpu.memory_space<vmem>>, vector<16xf32>,
    } {sc.loop_unroll_factor = 8 : i64, sc.parallel_access}
    %lt3A_47 = arith.constant 8 : i32
    %lt3A_48 = arith.cmpi slt, %add3A, %lt3A_47 : i32
    %convert_element_type3A = arith.extui %lt3A_48 : i1 to i32
    %cond3A = arith.constant 0 : i32
    %cond3A_49 = arith.cmpi ne, %convert_element_type3A, %cond3A : i32
    scf.if %cond3A_49 {
      %run_scoped3A_50 = arith.constant 0 : i32
      "tpu.region"() ({
        %run_scoped3A_51 = tpu.sem_alloc : memref<!tpu.dma_semaphore, #tpu.memory_space<semaphore_mem>>
        %dma_start3A = arith.constant 64 : i32
        %dma_start3A_52 = tpu.memref_slice %arg7[%dma_start3A] : memref<16576xf32, #tpu.memory_space<vmem>> -> memref<16384xf32, #tpu.memory_space<vmem>>
        %dma_start3A_53 = arith.constant 0 : i32
        %dma_start3A_54 = tpu.memref_slice %arg3[%select_n3A_9, %run_scoped3A_50, %dma_start3A_53] : memref<8x1x16384xf32, #tpu.memory_space<hbm>> -> memref<1x1x16384xf32, #tpu.memory_space<hbm>>
        %dma_start3A_55 = tpu.memref_squeeze %dma_start3A_54 : memref<1x1x16384xf32, #tpu.memory_space<hbm>> -> memref<16384xf32, #tpu.memory_space<hbm>>
        %dma_start3A_56 = arith.constant 0 : i32
        %dma_start3A_57 = tpu.memref_slice %arg3[%select_n3A_9, %run_scoped3A_50, %dma_start3A_56] : memref<8x1x16384xf32, #tpu.memory_space<hbm>> -> memref<1x1x16384xf32, #tpu.memory_space<hbm>>
        %dma_start3A_58 = tpu.memref_squeeze %dma_start3A_57 : memref<1x1x16384xf32, #tpu.memory_space<hbm>> -> memref<16384xf32, #tpu.memory_space<hbm>>
        %dma_start3A_59 = arith.constant 64 : i32
        %dma_start3A_60 = tpu.memref_slice %arg7[%dma_start3A_59] : memref<16576xf32, #tpu.memory_space<vmem>> -> memref<16384xf32, #tpu.memory_space<vmem>>
        tpu.enqueue_dma source(%dma_start3A_60 : memref<16384xf32, #tpu.memory_space<vmem>>) target(%dma_start3A_58 : memref<16384xf32, #tpu.memory_space<hbm>>) target_semaphore(%run_scoped3A_51 : memref<!tpu.dma_semaphore, #tpu.memory_space<semaphore_mem>>)
        %dma_wait3A = arith.constant 64 : i32
        %dma_wait3A_61 = tpu.memref_slice %arg7[%dma_wait3A] : memref<16576xf32, #tpu.memory_space<vmem>> -> memref<16384xf32, #tpu.memory_space<vmem>>
        %dma_wait3A_62 = arith.constant 0 : i32
        %dma_wait3A_63 = tpu.memref_slice %arg3[%select_n3A_9, %run_scoped3A_50, %dma_wait3A_62] : memref<8x1x16384xf32, #tpu.memory_space<hbm>> -> memref<1x1x16384xf32, #tpu.memory_space<hbm>>
        %dma_wait3A_64 = tpu.memref_squeeze %dma_wait3A_63 : memref<1x1x16384xf32, #tpu.memory_space<hbm>> -> memref<16384xf32, #tpu.memory_space<hbm>>
        %dma_wait3A_65 = arith.constant 0 : i32
        %dma_wait3A_66 = tpu.memref_slice %arg3[%select_n3A_9, %run_scoped3A_50, %dma_wait3A_65] : memref<8x1x16384xf32, #tpu.memory_space<hbm>> -> memref<1x1x16384xf32, #tpu.memory_space<hbm>>
        %dma_wait3A_67 = tpu.memref_squeeze %dma_wait3A_66 : memref<1x1x16384xf32, #tpu.memory_space<hbm>> -> memref<16384xf32, #tpu.memory_space<hbm>>
        %dma_wait3A_68 = arith.constant 64 : i32
        %dma_wait3A_69 = tpu.memref_slice %arg7[%dma_wait3A_68] : memref<16576xf32, #tpu.memory_space<vmem>> -> memref<16384xf32, #tpu.memory_space<vmem>>
        tpu.wait_dma2 semaphore(%run_scoped3A_51 : memref<!tpu.dma_semaphore, #tpu.memory_space<semaphore_mem>>) src(%dma_wait3A_69 : memref<16384xf32, #tpu.memory_space<vmem>>) dst(%dma_wait3A_67 : memref<16384xf32, #tpu.memory_space<hbm>>)
        tpu.yield
      }) : () -> ()
    } else {
    }
    return
  }
}

</mosaic_0001>

<sc_bundles>
// kernel: _nms.3.cloned.1.call-start
scs
__scs_entry_jumppad:
0x0: {  	(pc) =	sbr.rel $0x88, $3  }
0x1: {  	(tag) =	ssettag $0x0;
	lr =	simm.s32 $0x1  }
0x2: {  	[smem:$0x3FA0] =	sst lr;
	_ =	strace $0xD0000000  }
0x3: {  	_ = 	snop  }
0x4: {  	_ = 	snop  }
0x5: {  	_ = 	snop  }
0x6: {  	_ = 	snop  }
0x7: {  	_ = 	snop  }
__scs_overlays_trampoline_lowered:
0x8: {  	[smem:$0x3FAF] =	sst s0  }
0x9: {  	[smem:$0x3FB0] =	sst s1  }
0xa: {  	[smem:$0x3FB1] =	sst s2  }
0xb: {  	[smem:$0x3FB2] =	sst s3  }
0xc: {  	[smem:$0x3FB3] =	sst s4  }
0xd: {  	[smem:$0x3FB4] =	sst s5  }
0xe: {  	[smem:$0x3FB5] =	sst s6  }
0xf: {  	[smem:$0x3FB6] =	sst s7  }
0x10: {  	[smem:$0x3FB7] =	sst s8  }
0x11: {  	[smem:$0x3FB8] =	sst s9;
	s0 =	simm.s32 @!p0 $0x0  }
0x12: {  	s1 =	sld [smem:$0x3F9E];
	s0 =	simm.s32 @p0 $0x1  }
0x13: {  	[smem:$0x3FB9] =	sst s0;
	s0 =	simm.s32 @!p1 $0x0  }
0x14: {  	s2 =	sld [smem:$0x3F9D];
	s0 =	simm.s32 @p1 $0x1  }
0x15: {  	[smem:$0x3FBA] =	sst s0;
	s0 =	simm.s32 @!p2 $0x0  }
0x16: {  	s3 =	sld [smem:$0x3FDB];
	s0 =	simm.s32 @p2 $0x1  }
0x17: {  	s4 =	simm.s32 $0x1BF5;
	[smem:$0x3FBC] =	sst s0  }
0x18: {  	s0 =	sld [smem:$0x3F9F];
	_ =	swait.ge [sflag:s4], $0x0  }
0x19: {  	s7 =	sld [smem:$0x3FA0]  }
0x1a: {  	s8 =	sadd.s32 $0xFFFFE003, lr  }
0x1b: {  	s9 =	sadd.s32 $0xFFFFFEF7, lr;
	s5 =	simm.s32 $0xFFFFFFFF;
	p2 =	slt.u32 s8, $0xFFFFF086  }
0x1c: {  	p1 =	slt.u32 s9, $0xF7A;
	s5 =	simm.s32 @!p2 $0x0  }
0x1d: {  	s5 =	simm.s32 @p1 $0x1;
	p0 =	seq.s32 s7, s2  }
0x1e: {  	s7 =	smul.u32 @!p0 $0xF7A, s2;
	p2 =	seq.s32 @!p0 s5, $0x0  }
0x1f: {  	s9 =	smul.u32 $0xF7A, s1;
	s8 =	simm.s32 @!p0 $0x1BF5;
	p2 =	por !p2, p0  }
0x20: {  	[sflag:s8] =	ssyncset.s32 @!p0 $0xFFFFF086;
	s6 =	sadd.s32 @!p0 s3, s7;
	s7 =	simm.s32 @!p0 $0x108  }
0x21: {  	s3 =	sadd.s32 s3, s9;
	s6 =	sadd.s32 @!p0 $0x88, s6;
	s7 =	simm.s32 @p2 $0x1082  }
0x22: {  	[simem:s7], [sflag:s8] =	dma.local @!p0 [hbm:s6], $0xF7A  }
0x23: {  	s9 =	sor.u32 $0xD0000000, s2;
	s6 =	simm.s32 $0x108;
	_ =	swait.ge @!p0 [sflag:s8], $0x0  }
0x24: {  	s3 =	sadd.s32 $0x88, s3;
	s6 =	simm.s32 @!p1 $0x1082;
	[sflag:s4] =	ssyncset.s32 $0xFFFFF086  }
0x25: {  	[simem:s6], [sflag:s4] =	dma.local [hbm:s3], $0xF7A  }
0x26: {  	[smem:$0x3FA0] =	sst s1;
	(tag) =	ssettag s2;
	_ =	strace s9  }
0x27: {  	s1 =	sld [smem:$0x3FB0]  }
0x28: {  	s2 =	sld [smem:$0x3FB1]  }
0x29: {  	s4 =	sld [smem:$0x3FB3]  }
0x2a: {  	p0 =	seq.s32 s5, $0x0;
	s5 =	sld [smem:$0x3FB4]  }
0x2b: {  	s6 =	sld [smem:$0x3FB5]  }
0x2c: {  	s7 =	sld [smem:$0x3FB6]  }
0x2d: {  	s3 =	simm.s32 $0x108;
	s8 =	sld [smem:$0x3FB7]  }
0x2e: {  	s3 =	simm.s32 @!p0 $0x1082;
	s9 =	sld [smem:$0x3FB8]  }
0x2f: {  	lr =	sadd.s32 s0, s3;
	s0 =	sld [smem:$0x3FAF]  }
0x30: {  	s3 =	sld [smem:$0x3FB2]  }
0x31: {  	[smem:$0x3FBB] =	sst s10  }
0x32: {  	s10 =	sld [smem:$0x3FB9];
	_ =	sdelay $0x3  }
0x33: {  	p0 =	seq.s32 s10, $0x1;
	s10 =	sld [smem:$0x3FBB];
	_ =	sdelay $0x3  }
0x34: {  	[smem:$0x3FBB] =	sst s10  }
0x35: {  	s10 =	sld [smem:$0x3FBA];
	_ =	sdelay $0x3  }
0x36: {  	p1 =	seq.s32 s10, $0x1;
	s10 =	sld [smem:$0x3FBB];
	_ =	sdelay $0x3  }
0x37: {  	[smem:$0x3FBB] =	sst s10  }
0x38: {  	s10 =	sld [smem:$0x3FBC]  }
0x39: {  	_ = 	snop;
	(pc) =	sbr.ind lr, $3  }
0x3a: {  	_ = 	snop  }
0x3b: {  	_ = 	snop  }
0x3c: {  	p2 =	seq.s32 s10, $0x1;
	s10 =	sld [smem:$0x3FBB]  }
0x3d: {  	_ =	shalt  }
0x3e: {  	_ =	shalt  }
0x3f: {  	_ =	shalt  }
0x40: {  	_ =	shalt  }
0x41: {  	_ =	shalt  }
0x42: {  	_ =	shalt  }
0x43: {  	_ =	shalt  }
0x44: {  	_ =	shalt  }
0x45: {  	_ =	shalt  }
0x46: {  	_ =	shalt  }
0x47: {  	_ =	shalt  }
0x48: {  	_ =	shalt  }
0x49: {  	_ =	shalt  }
0x4a: {  	_ =	shalt  }
0x4b: {  	_ =	shalt  }
0x4c: {  	_ =	shalt  }
0x4d: {  	_ =	shalt  }
0x4e: {  	_ =	shalt  }
0x4f: {  	_ =	shalt  }
0x50: {  	_ =	shalt  }
0x51: {  	_ =	shalt  }
0x52: {  	_ =	shalt  }
0x53: {  	_ =	shalt  }
0x54: {  	_ =	shalt  }
0x55: {  	_ =	shalt  }
0x56: {  	_ =	shalt  }
0x57: {  	_ =	shalt  }
0x58: {  	_ =	shalt  }
0x59: {  	_ =	shalt  }
0x5a: {  	_ =	shalt  }
0x5b: {  	_ =	shalt  }
0x5c: {  	_ =	shalt  }
0x5d: {  	_ =	shalt  }
0x5e: {  	_ =	shalt  }
0x5f: {  	_ =	shalt  }
0x60: {  	_ =	shalt  }
0x61: {  	_ =	shalt  }
0x62: {  	_ =	shalt  }
0x63: {  	_ =	shalt  }
0x64: {  	_ =	shalt  }
0x65: {  	_ =	shalt  }
0x66: {  	_ =	shalt  }
0x67: {  	_ =	shalt  }
0x68: {  	_ =	shalt  }
0x69: {  	_ =	shalt  }
0x6a: {  	_ =	shalt  }
0x6b: {  	_ =	shalt  }
0x6c: {  	_ =	shalt  }
0x6d: {  	_ =	shalt  }
0x6e: {  	_ =	shalt  }
0x6f: {  	_ =	shalt  }
0x70: {  	_ =	shalt  }
0x71: {  	_ =	shalt  }
0x72: {  	_ =	shalt  }
0x73: {  	_ =	shalt  }
0x74: {  	_ =	shalt  }
0x75: {  	_ =	shalt  }
0x76: {  	_ =	shalt  }
0x77: {  	_ =	shalt  }
0x78: {  	_ =	shalt  }
0x79: {  	_ =	shalt  }
0x7a: {  	_ =	shalt  }
0x7b: {  	_ =	shalt  }
0x7c: {  	_ =	shalt  }
0x7d: {  	_ =	shalt  }
0x7e: {  	_ =	shalt  }
0x7f: {  	_ =	shalt  }
0x80: {  	_ =	shalt  }
0x81: {  	_ =	shalt  }
0x82: {  	_ =	shalt  }
0x83: {  	_ =	shalt  }
0x84: {  	_ =	shalt  }
0x85: {  	_ =	shalt  }
0x86: {  	_ =	shalt  }
0x87: {  	_ =	shalt  }
.Lfunc_end0:
.L_simem_size_0:
called_computation_lowered:
.L_overlay_start_0:
0x88: {  	s2 =	sld [smem:$0x3FD9]  }
0x89: {  	s3 =	sld [smem:$0x3FFE];
	_ =	sdelay $0x1  }
0x8a: {  	s1 =	srdreg.scid  }
0x8b: {  	s0 =	sand.u32 $0x1, s1  }
0x8c: {  	s18 =	sshll.u32 s0, $0xA;
	s2 =	sadd.s32 s3, s2  }
0x8d: {  	s2 =	sadd.s32 s2, s18  }
0x8e: {  	[smem:$0x3FC7] =	sst s2  }
0x8f: {  	_ = 	snop  }
0x90: {  	s2 =	sld [smem:$0x3FC9]  }
0x91: {  	s19 =	sld [smem:$0x3FD0];
	(tm) =	ssettm $0x1  }
0x92: {  	s4 =	sld [smem:$0x3FFB];
	_ =	sdelay $0x3  }
0x93: {  	_ =	strace s4  }
0x94: {  	s4 =	sld [smem:$0x3FFC];
	_ =	sdelay $0x3  }
0x95: {  	_ =	strace s4  }
0x96: {  	s4 =	sld [smem:$0x3FFD];
	_ =	sdelay $0x3  }
0x97: {  	_ =	strace s4  }
0x98: {  	_ =	strace $0x8FFFFFFF  }
0x99: {  	s20 =	sld [smem:$0x3FDB];
	_ =	sdelay $0x1  }
0x9a: {  	s5 =	simm.s32 $_scs_section_size  }
0x9b: {  	s6 =	simm.s32 $_size__tile_overlayer_lowered;
	s7 =	simm.s32 $_tile_overlayer_lowered  }
0x9c: {  	s23 =	simm.s32 $0x1BFF;
	s22 =	sshll.u32 s7, $0x1;
	s4 =	sadd.s32 s5, s20  }
0x9d: {  	s8 =	simm.s32 $0x0;
	s21 =	sshll.u32 s6, $0x1;
	s6 =	sadd.s32 s22, s4  }
0x9e: {  	[timem:s8], [sflag:s23] =	dma.local [hbm:s6], s21  }
0x9f: {  	_ =	swait.ge [sflag:s23], s21  }
0xa0: {  	s5 =	ssub.s32 $0x0, s21;
	[sflag:s23] =	ssyncset.done $0x0  }
0xa1: {  	[sflag:s23] =	ssyncadd.s32 s5;
	_ =	sdelay $0x1  }
0xa2: {  	s24 =	simm.s32 $0x1B8B  }
0xa3: {  	_ =	swait.ge [sflag:s24], $0x1  }
0xa4: {  	[sflag:s24] =	ssyncset.done $0x0  }
0xa5: {  	s25 =	simm.s32 $0x1B8E;
	[sflag:s24] =	ssyncadd.s32 $0xFFFFFFFF  }
0xa6: {  	s26 =	simm.s32 $execute0_lowered;
	[smem:$0x3FD2] =	sst s25  }
0xa7: {  	s5 =	sshll.u32 s26, $0x1;
	_ =	strace $0x80000046;
	[dreg:$0x1] =	wrdreg $0xFFFFFFFF  }
0xa8: {  	s28 =	simm.s32 $_size_execute0_lowered;
	s4 =	sadd.s32 s4, s5;
	[dreg:$0x0] =	wrdreg $0x0  }
0xa9: {  	s5 =	sshll.u32 s28, $0x1;
	[dreg:$0x2] =	wrdreg s4  }
0xaa: {  	[dreg:$0x3] =	wrdreg s5  }
0xab: {  	[dreg:$0x4] =	wrdreg $0xC0  }
0xac: {  	_ =	task [dreg:s8], $0x5FFFF  }
0xad: {  	[dreg:$0x1] =	wrdreg $0xFFFFFFFF  }
0xae: {  	[dreg:$0x0] =	wrdreg $0x60  }
0xaf: {  	[dreg:$0x2] =	wrdreg s2  }
0xb0: {  	[dreg:$0x3] =	wrdreg s19  }
0xb1: {  	[dreg:$0x4] =	wrdreg $0x9  }
0xb2: {  	_ =	task.clear_ibuf [dreg:s8], $0x5FFFF;
	_ =	strace $0x90000046  }
0xb3: {  	s29 =	simm.s32 $0x9;
	_ =	strace $0x80000048  }
0xb4: {  	_ =	swait.ge [sflag:s29], $0x1  }
0xb5: {  	[sflag:s29] =	ssyncadd.s32 $0xFFFFFFFF  }
0xb6: {  	_ =	strace $0x90000048  }
0xb7: {  	_ =	sfence  }
0xb8: {  	s30 =	sld [smem:$0x0];
	_ =	sdelay $0x2  }
0xb9: {  	s31 =	sshll.u32 s1, $0xD;
	s1 =	sshrl.u32 s1, $0x2  }
0xba: {  	s3 =	sand.u32 $0x4000, s31;
	s1 =	sadd.s32 s1, s30  }
0xbb: {  	s0 =	sor.u32 s3, s0;
	s1 =	sshll.u32 s1, $0x11  }
0xbc: {  	s0 =	sor.u32 s1, s0  }
0xbd: {  	s0 =	sadd.s32 $0x8F2B, s0  }
0xbe: {  	[sflag:s0] =	ssyncadd.remote.s32 $0x1  }
0xbf: {  	_ =	sfence.sel $0xFFFF  }
0xc0: {  	[dreg:$0x0] =	wrdreg $0xFFFFFFFF;
	(pc) =	sbr.abs _section_cstart, $3  }
0xc1: {  	[dreg:$0x1] =	wrdreg $0xFFFFFFFF  }
0xc2: {  	_ =	task.clear_ibuf [dreg:s8], $0x2FFFF;
	_ =	strace $0x9FFFFFFF  }
0xc3: {  	(tm) =	ssettm $0x7FFFFFFF  }
tec
execute0_lowered:
.L_overlay_start_1:
0x0: {  	(tag) =	ssettag $0x1  }
0x1: {  	s3 =	rddreg [dreg:$0x0]  }
0x2: {  	s4 =	rddreg [dreg:$0x1]  }
0x3: {  	s0 =	rddreg [dreg:$0x2]  }
0x4: {  	s5 =	srdreg.scid;
	s1 =	stileid.u32  }
0x5: {  	s2 =	simm.s32 $0x0;
	s5 =	sand.u32 $0x1, s5;
	s6 =	sshll.u32 s1, $0xC  }
0x6: {  	[smem:$0x7FF] =	sst s2;
	p0 =	sgt.u32 s1, $0x3;
	s7 =	ssub.s32 $0x2, s5  }
0x7: {  	s5 =	sshll.u32 s5, $0xB;
	s6 =	sand.u32 $0x3000, s6;
	_ =	strace $0x80000047  }
0x8: {  	s8 =	sshrl.u32 s7, $0x1;
	s5 =	sor.u32 s5, s6;
	s6 =	simm.s32 $0x40  }
0x9: {  	v0 =	vimm.f32 $-1.000000000e+00;
	s31 =	ssub.s32 s7, s8;
	s3 =	sadd.s32 s3, s5;
	s4 =	sadd.s32 s4, s5  }
0xa: {  	v1 =	vimm.f32 $0.0e+00;
	v2 =	vimm.f32 $+Inf;
	v3 =	vimm.f32 $-Inf;
	s7 =	simm.s32 $0x1;
	s8 =	simm.s32 $0x0;
	s5 =	smax.u32 s31, $0x1  }
.LBB2_1:
0xb: {  	[tilespmem:s6], [sflag:$0x1] =	stream.linear.gather [hbm4b:s3+s2], $0x4000, $0x38;
	[tilespmem:$0x14500] =	vst v63  }
0xc: {  	_ =	swait.ge [sflag:s7], $0x4000  }
0xd: {  	[sflag:s7] =	ssyncset.done $0x0  }
0xe: {  	s11 =	simm.s32 $0xC320;
	[sflag:s7] =	ssyncadd.s32 $0xFFFFC000  }
0xf: {  	[tilespmem:s11+$0xFFFFFFF0] =	vst v0  }
0x10: {  	[tilespmem:s11+$0x0] =	vst v0  }
0x11: {  	[tilespmem:s11+$0x10] =	vst v0  }
0x12: {  	s9 =	simm.s32 $0x10420;
	[tilespmem:s11+$0xFFFFFFE0] =	vst v0  }
0x13: {  	[tilespmem:s9+$0xFFFFFFF0] =	vst v0  }
0x14: {  	[tilespmem:s9+$0x0] =	vst v0  }
0x15: {  	[tilespmem:s9+$0x10] =	vst v0  }
0x16: {  	s10 =	simm.s32 $0x8220;
	[tilespmem:s9+$0xFFFFFFE0] =	vst v0  }
0x17: {  	[tilespmem:s10+$0xFFFFFFF0] =	vst v1  }
0x18: {  	[tilespmem:s10+$0x0] =	vst v1  }
0x19: {  	[tilespmem:s10+$0x10] =	vst v1  }
0x1a: {  	s12 =	simm.s32 $0xC360;
	s11 =	simm.s32 $0x0;
	[tilespmem:s10+$0xFFFFFFE0] =	vst v1  }
.LBB2_2:
0x1b: {  	[tilespmem:s12+$0xFFFFFFF0] =	vst v0;
	s9 =	sadd.s32 $0x40, s9  }
0x1c: {  	s10 =	sadd.s32 $0x40, s10;
	[tilespmem:s9+$0xFFFFFFF0] =	vst v0  }
0x1d: {  	[tilespmem:s10+$0xFFFFFFF0] =	vst v1  }
0x1e: {  	[tilespmem:s12+$0x0] =	vst v0  }
0x1f: {  	[tilespmem:s9+$0x0] =	vst v0  }
0x20: {  	s11 =	sadd.s32 $0x40, s11;
	[tilespmem:s10+$0x0] =	vst v1  }
0x21: {  	p1 =	slt.u32 s11, $0x4080;
	[tilespmem:s12+$0x10] =	vst v0  }
.Ltmp0:
0x22: {  	[tilespmem:s9+$0x10] =	vst v0;
	(pc) =	sbr.rel @p1 .LBB2_2-.Ltmp0, $4  }
0x23: {  	[tilespmem:s10+$0x10] =	vst v1  }
0x24: {  	[tilespmem:s12+$0xFFFFFFE0] =	vst v0  }
0x25: {  	[tilespmem:s9+$0xFFFFFFE0] =	vst v0  }
0x26: {  	s12 =	sadd.s32 $0x40, s12;
	[tilespmem:s10+$0xFFFFFFE0] =	vst v1  }
0x27: {  	[tilespmem:$0x4100] =	vst v0  }
0x28: {  	[tilespmem:$0x4110] =	vst v0  }
0x29: {  	[tilespmem:$0x4120] =	vst v0  }
0x2a: {  	[tilespmem:$0x4130] =	vst v0;
	s9 =	simm.s32 $0x8170  }
0x2b: {  	[tilespmem:s9+$0xFFFFFFD0] =	vst v0  }
0x2c: {  	[tilespmem:s9+$0x0] =	vst v0  }
0x2d: {  	s10 =	simm.s32 $0x4040;
	[tilespmem:s9+$0xFFFFFFF0] =	vst v0  }
.LBB2_4:
0x2e: {  	s10 =	sadd.s32 $0x40, s10  }
0x2f: {  	[tilespmem:s9+$0xFFFFFFE0] =	vst v0;
	s9 =	sadd.s32 $0x40, s9;
	p1 =	slt.u32 s10, $0x4080  }
.Ltmp1:
0x30: {  	[tilespmem:s9+$0xFFFFFFD0] =	vst v0;
	(pc) =	sbr.rel @p1 .LBB2_4-.Ltmp1, $3  }
0x31: {  	_ =	sdelay $0x1  }
0x32: {  	[tilespmem:s9+$0x0] =	vst v0  }
0x33: {  	[tilespmem:s9+$0xFFFFFFF0] =	vst v0  }
0x34: {  	[tilespmem:s9+$0xFFFFFFE0] =	vst v0  }
0x35: {  	[tilespmem:$0x30] =	vst v2  }
0x36: {  	s31 =	simm.s32 $0x5F;
	[tilespmem:$0x4040] =	vst v3  }
0x37: {  	v7 =	vld [tilespmem:s31+$0x52]  }
0x38: {  	v8 =	vld [tilespmem:s31+$0x50]  }
0x39: {  	v9 =	vld [tilespmem:s31+$0x51]  }
0x3a: {  	v4 =	vld [tilespmem:s31+$0xFFFFFFE1]  }
0x3b: {  	v10 =	vld [tilespmem:s31+$0xFFFFFFF0]  }
0x3c: {  	v5 =	vld [tilespmem:s31+$0xFFFFFFF1]  }
0x3d: {  	v11 =	vld [tilespmem:s31+$0x0]  }
0x3e: {  	v6 =	vld [tilespmem:s31+$0x1];
	_ =	sdelay $0x1  }
0x3f: {  	v56 =	vimm.s32 $0x0;
	v19 =	vimm.s32 $0x0;
	v60 =	vimm.s32 $0x0  }
0x40: {  	v61 =	vimm.s32 $0x0;
	v52 =	vld [tilespmem:s31+$0xFFFFFFE0];
	v12 =	vsub.f32 v7, v9;
	v8 =	vsub.f32 v9, v8  }
0x41: {  	vm0 =	vle.f32 v4, $0.0e+00;
	vm1 =	vle.f32 v9, $0.0e+00;
	vm2 =	vgt.f32 v9, $0.0e+00  }
0x42: {  	v13 =	vld [tilespmem:s31+$0x10];
	v10 =	vsub.f32 v5, v10;
	v11 =	vsub.f32 v6, v11;
	v9 =	vand.u32 $0x7FFFFFFF, v9  }
0x43: {  	v14 =	vld [tilespmem:s31+$0x20];
	vm8 =	vgt.f32 v5, $0.0e+00;
	vm11 =	vle.f32 v6, $0.0e+00;
	vm12 =	vgt.f32 v6, $0.0e+00  }
0x44: {  	v7 =	vld [tilespmem:s31+$0x11];
	vm3 =	vgt.f32 v12, $0.0e+00;
	vm4 =	vle.f32 v8, $0.0e+00;
	vm5 =	vgt.f32 v8, $0.0e+00  }
0x45: {  	vm6 =	vle.f32 v12, $0.0e+00;
	v8 =	vld [tilespmem:s31+$0x21];
	vm7 =	vle.f32 v11, $0.0e+00;
	v12 =	vsub.f32 v4, v52  }
0x46: {  	vm1 =	vmand vm4, vm1;
	vm2 =	vmand vm5, vm2;
	vm4 =	vle.f32 v10, $0.0e+00  }
0x47: {  	vm5 =	vgt.f32 v10, $0.0e+00;
	vm7 =	vmand vm7, vm11;
	vm1 =	vmand vm1, vm3  }
0x48: {  	vm2 =	vmand vm2, vm6;
	vm3 =	vgt.f32 v11, $0.0e+00;
	vm6 =	vle.f32 v5, $0.0e+00  }
0x49: {  	v16 =	vld [tilespmem:s31+$0x30];
	vm1 =	vmor vm1, vm2;
	v10 =	vsub.f32 v7, v13;
	vm2 =	vgt.f32 v4, $0.0e+00  }
0x4a: {  	v15 =	vnsel vm1, $0xBF800000, v9;
	v9 =	vld [tilespmem:s31+$0x31];
	vm1 =	vle.f32 v12, $0.0e+00;
	v11 =	vsub.f32 v8, v14  }
0x4b: {  	v54 =	vld [tilespmem:s31+$0xFFFFFFE2];
	vm13 =	vle.f32 v7, $0.0e+00;
	vm9 =	vle.f32 v10, $0.0e+00;
	vm0 =	vmand vm1, vm0  }
0x4c: {  	v53 =	vld [tilespmem:s31+$0x40];
	vm14 =	vle.f32 v11, $0.0e+00;
	vm15 =	vgt.f32 v11, $0.0e+00;
	v11 =	vimm.s32 $0x0  }
0x4d: {  	vm10 =	vgt.f32 v10, $0.0e+00;
	v10 =	vld [tilespmem:s31+$0x41];
	v11 =	vsel vm0, $0xFFFFFFFF, v11;
	vm0 =	vgt.f32 v12, $0.0e+00  }
0x4e: {  	vm4 =	vmand vm4, vm6;
	vm6 =	vmand vm5, vm8;
	[tilespmem:$0x1FFB0] =	vst v11;
	vm0 =	vmand vm0, vm2  }
0x4f: {  	vm12 =	vmand vm3, vm12;
	v55 =	vsub.f32 v9, v16;
	v11 =	vld [tilespmem:s31+$0xFFFFFFF2];
	v16 =	vsel vm0, $0xFFFFFFFF, v56  }
0x50: {  	vm1 =	vgt.f32 v7, $0.0e+00;
	vm5 =	vgt.f32 v8, $0.0e+00;
	v14 =	vsub.f32 v54, v4;
	v62 =	vld [tilespmem:$0x1FFB0];
	[tilespmem:$0x1FFC0] =	vst v16  }
0x51: {  	vm9 =	vmand vm9, vm13;
	vm11 =	vmand vm10, vm1;
	vm13 =	vle.f32 v9, $0.0e+00;
	v16 =	vld [tilespmem:s31+$0x2]  }
0x52: {  	vm0 =	vle.f32 v8, $0.0e+00;
	v57 =	vsub.f32 v10, v53;
	vm2 =	vle.f32 v55, $0.0e+00;
	v17 =	vld [tilespmem:s31+$0x12]  }
0x53: {  	vm3 =	vgt.f32 v55, $0.0e+00;
	vm8 =	vmand vm14, vm0;
	vm14 =	vmand vm15, vm5;
	v58 =	vld [tilespmem:s31+$0x22]  }
0x54: {  	vm5 =	vgt.f32 v9, $0.0e+00;
	vm1 =	vle.f32 v57, $0.0e+00;
	vm2 =	vmand vm2, vm13;
	v63 =	vld [tilespmem:$0x1FFC0]  }
0x55: {  	v18 =	vld [tilespmem:s31+$0x32];
	vm3 =	vmand vm3, vm5;
	v19 =	vsel vm2, $0xFFFFFFFF, v19;
	vm2 =	vle.f32 v10, $0.0e+00  }
0x56: {  	vm0 =	vgt.f32 v57, $0.0e+00;
	v59 =	vld [tilespmem:s31+$0x42];
	[tilespmem:$0x1FFD0] =	vst v19;
	v19 =	vsel vm3, $0xFFFFFFFF, v60;
	vm1 =	vmand vm1, vm2  }
0x57: {  	vm3 =	vgt.f32 v10, $0.0e+00;
	v11 =	vsub.f32 v11, v5;
	[tilespmem:$0x1FFE0] =	vst v19;
	v19 =	vsel vm1, $0xFFFFFFFF, v61  }
0x58: {  	vm1 =	vgt.f32 v14, $0.0e+00;
	vm15 =	vmand vm0, vm3;
	vm0 =	vnez.u8 v62  }
0x59: {  	vm2 =	vle.f32 v14, $0.0e+00;
	vm1 =	vmand vm0, vm1;
	vm0 =	vnez.u8 v63  }
0x5a: {  	vm5 =	vgt.f32 v11, $0.0e+00;
	vm3 =	vmand vm0, vm2;
	vm2 =	vle.f32 v11, $0.0e+00;
	v11 =	vld [tilespmem:$0x1FFD0];
	_ =	sdelay $0x2  }
0x5b: {  	v16 =	vsub.f32 v16, v6;
	v17 =	vsub.f32 v17, v7  }
0x5c: {  	v13 =	vsub.f32 v58, v8;
	v18 =	vsub.f32 v18, v9  }
0x5d: {  	vm5 =	vmand vm4, vm5;
	vm13 =	vgt.f32 v16, $0.0e+00;
	vm0 =	vnez.u8 v11;
	v11 =	vld [tilespmem:$0x1FFE0]  }
0x5e: {  	vm10 =	vmand vm6, vm2;
	vm4 =	vle.f32 v16, $0.0e+00;
	vm6 =	vle.f32 v17, $0.0e+00  }
0x5f: {  	vm2 =	vmand vm7, vm13;
	vm13 =	vgt.f32 v17, $0.0e+00;
	vm7 =	vmand vm12, vm4  }
0x60: {  	s9 =	simm.s32 $0x4160;
	[tilespmem:$0x1FFF0] =	vst v19;
	vm11 =	vmand vm11, vm6;
	vm4 =	vmand vm9, vm13;
	vm13 =	vgt.f32 v13, $0.0e+00  }
0x61: {  	vm6 =	vle.f32 v13, $0.0e+00;
	vm12 =	vgt.f32 v18, $0.0e+00;
	vm8 =	vmand vm8, vm13;
	[tilespmem:s9+$0x50] =	vst v15  }
0x62: {  	vm13 =	vmand vm14, vm6;
	vm6 =	vmand vm0, vm12;
	vm0 =	vnez.u8 v11;
	v11 =	vld [tilespmem:$0x1FFF0];
	_ =	sdelay $0x2  }
0x63: {  	v12 =	vsub.f32 v59, v10  }
0x64: {  	vm9 =	vle.f32 v18, $0.0e+00  }
0x65: {  	vm14 =	vgt.f32 v12, $0.0e+00;
	vm12 =	vmand vm0, vm9;
	vm0 =	vnez.u8 v11  }
0x66: {  	s10 =	simm.s32 $0x40;
	s11 =	simm.s32 $0xDF;
	vm9 =	vmand vm0, vm14;
	vm14 =	vle.f32 v12, $0.0e+00  }
.LBB2_6:
0x67: {  	vm1 =	vmor vm1, vm3;
	vm3 =	vmor vm5, vm10  }
0x68: {  	v11 =	vld [tilespmem:s11+$0x52];
	vm0 =	vmand vm15, vm14;
	vm2 =	vmor vm2, vm7;
	vm4 =	vmor vm4, vm11  }
0x69: {  	v12 =	vld [tilespmem:s11+$0x50];
	vm5 =	vmor vm8, vm13;
	v14 =	vand.u32 $0x7FFFFFFF, v4;
	vm6 =	vmor vm6, vm12  }
0x6a: {  	v13 =	vld [tilespmem:s11+$0x51];
	v15 =	vand.u32 $0x7FFFFFFF, v5;
	v6 =	vand.u32 $0x7FFFFFFF, v6;
	v7 =	vand.u32 $0x7FFFFFFF, v7  }
0x6b: {  	v4 =	vld [tilespmem:s11+$0xFFFFFFE1];
	v8 =	vand.u32 $0x7FFFFFFF, v8;
	v9 =	vand.u32 $0x7FFFFFFF, v9;
	v10 =	vand.u32 $0x7FFFFFFF, v10  }
0x6c: {  	v24 =	vimm.s32 $0x0;
	v26 =	vimm.s32 $0x0;
	vm0 =	vmor vm9, vm0  }
0x6d: {  	v16 =	vld [tilespmem:s11+$0xFFFFFFF0];
	v14 =	vnsel vm1, $0xBF800000, v14;
	v15 =	vnsel vm3, $0xBF800000, v15;
	v17 =	vnsel vm2, $0xBF800000, v6  }
0x6e: {  	v5 =	vld [tilespmem:s11+$0xFFFFFFF1];
	v61 =	vnsel vm4, $0xBF800000, v7;
	v8 =	vnsel vm5, $0xBF800000, v8;
	v9 =	vnsel vm6, $0xBF800000, v9  }
0x6f: {  	v18 =	vld [tilespmem:s11+$0x0];
	v7 =	vimm.s32 $0x0;
	v10 =	vnsel vm0, $0xBF800000, v10;
	v11 =	vsub.f32 v11, v13  }
0x70: {  	v6 =	vld [tilespmem:s11+$0x1];
	v12 =	vsub.f32 v13, v12;
	vm0 =	vle.f32 v4, $0.0e+00;
	vm1 =	vgt.f32 v13, $0.0e+00  }
0x71: {  	[tilespmem:s9+$0xFFFFFFE0] =	vst v14;
	v7 =	vsel vm0, $0xFFFFFFFF, v7;
	vm0 =	vle.f32 v13, $0.0e+00;
	vm2 =	vgt.f32 v11, $0.0e+00  }
0x72: {  	[tilespmem:s9+$0xFFFFFFF0] =	vst v15;
	vm3 =	vle.f32 v12, $0.0e+00;
	vm4 =	vgt.f32 v12, $0.0e+00;
	vm5 =	vle.f32 v11, $0.0e+00  }
0x73: {  	[tilespmem:s9+$0x0] =	vst v17;
	v11 =	vsub.f32 v5, v16;
	vm0 =	vmand vm3, vm0;
	vm1 =	vmand vm4, vm1  }
0x74: {  	v62 =	vld [tilespmem:s11+$0x10];
	[tilespmem:s9+$0x30] =	vst v9;
	v9 =	vimm.s32 $0x0;
	vm0 =	vmand vm0, vm2;
	vm1 =	vmand vm1, vm5  }
0x75: {  	v63 =	vld [tilespmem:s11+$0x20];
	[tilespmem:s9+$0x20] =	vst v8;
	v20 =	vsub.f32 v6, v18;
	vm0 =	vmor vm0, vm1;
	vm1 =	vle.f32 v11, $0.0e+00  }
0x76: {  	v13 =	vand.u32 $0x7FFFFFFF, v13;
	[tilespmem:$0x1FE10] =	vst v7;
	v7 =	vld [tilespmem:s11+$0x11];
	v9 =	vsel vm1, $0xFFFFFFFF, v9;
	vm1 =	vgt.f32 v11, $0.0e+00  }
0x77: {  	[tilespmem:s9+$0x40] =	vst v10;
	v10 =	vnsel vm0, $0xBF800000, v13;
	vm0 =	vle.f32 v20, $0.0e+00;
	v11 =	vimm.s32 $0x0  }
0x78: {  	v28 =	vimm.s32 $0x0;
	v30 =	vimm.s32 $0x0;
	[tilespmem:s9+$0x10] =	vst v61;
	v11 =	vsel vm0, $0xFFFFFFFF, v11  }
0x79: {  	v38 =	vimm.s32 $0x0;
	s9 =	sadd.s32 $0x80, s9;
	vm0 =	vgt.f32 v20, $0.0e+00;
	[tilespmem:$0x1FE60] =	vst v11;
	v11 =	vimm.s32 $0x0  }
0x7a: {  	[tilespmem:s9+$0x50] =	vst v10;
	v10 =	vimm.s32 $0x0;
	v11 =	vsel vm0, $0xFFFFFFFF, v11;
	vm0 =	vle.f32 v5, $0.0e+00  }
0x7b: {  	v42 =	vimm.s32 $0x0;
	v8 =	vld [tilespmem:s11+$0x21];
	[tilespmem:$0x1FE70] =	vst v11;
	v11 =	vsub.f32 v7, v62;
	v10 =	vsel vm0, $0xFFFFFFFF, v10  }
0x7c: {  	v46 =	vimm.s32 $0x0;
	vm0 =	vgt.f32 v5, $0.0e+00;
	[tilespmem:$0x1FE30] =	vst v10;
	v10 =	vimm.s32 $0x0  }
0x7d: {  	v48 =	vimm.s32 $0x0;
	v23 =	vld [tilespmem:s11+$0xFFFFFFE0];
	v10 =	vsel vm0, $0xFFFFFFFF, v10;
	vm0 =	vle.f32 v11, $0.0e+00  }
0x7e: {  	v21 =	vld [tilespmem:s11+$0x30];
	v15 =	vsel vm0, $0xFFFFFFFF, v24;
	vm0 =	vgt.f32 v11, $0.0e+00;
	v11 =	vimm.s32 $0x0  }
0x7f: {  	v52 =	vimm.s32 $0x0;
	v34 =	vld [tilespmem:s11+$0x32];
	[tilespmem:$0x1FE20] =	vst v9;
	v9 =	vimm.s32 $0x0;
	v11 =	vsel vm0, $0xFFFFFFFF, v11  }
0x80: {  	v54 =	vimm.s32 $0x0;
	v37 =	vld [tilespmem:$0x1FE10];
	v9 =	vsel vm1, $0xFFFFFFFF, v9;
	[tilespmem:$0x1FEA0] =	vst v11;
	v11 =	vsub.f32 v8, v63  }
0x81: {  	v56 =	vimm.s32 $0x0;
	vm11 =	vgt.f32 v4, $0.0e+00;
	v40 =	vld [tilespmem:$0x1FE20];
	[tilespmem:$0x1FE40] =	vst v9;
	vm0 =	vle.f32 v7, $0.0e+00  }
0x82: {  	v32 =	vsub.f32 v4, v23;
	v41 =	vld [tilespmem:$0x1FE30];
	[tilespmem:$0x1FE80] =	vst v15;
	v15 =	vsel vm0, $0xFFFFFFFF, v26;
	vm0 =	vle.f32 v11, $0.0e+00  }
0x83: {  	v43 =	vld [tilespmem:$0x1FE40];
	[tilespmem:$0x1FE50] =	vst v10;
	v17 =	vsel vm0, $0xFFFFFFFF, v28;
	vm0 =	vgt.f32 v11, $0.0e+00;
	v11 =	vimm.s32 $0x0  }
0x84: {  	vm5 =	vle.f32 v32, $0.0e+00;
	v44 =	vld [tilespmem:$0x1FE50];
	v11 =	vsel vm0, $0xFFFFFFFF, v11;
	vm0 =	vgt.f32 v8, $0.0e+00  }
0x85: {  	vm10 =	vnez.u8 v37;
	v45 =	vld [tilespmem:$0x1FE60];
	[tilespmem:$0x1FEB0] =	vst v17;
	v17 =	vsel vm0, $0xFFFFFFFF, v30;
	vm0 =	vgt.f32 v32, $0.0e+00  }
0x86: {  	v59 =	vimm.s32 $0x0;
	v9 =	vld [tilespmem:s11+$0x31];
	vm5 =	vmand vm5, vm10;
	vm0 =	vmand vm0, vm11  }
0x87: {  	v47 =	vld [tilespmem:$0x1FE70];
	vm10 =	vnez.u8 v41;
	v16 =	vsel vm0, $0xFFFFFFFF, v38;
	vm0 =	vnez.u8 v40  }
0x88: {  	v60 =	vimm.s32 $0x0;
	vm13 =	vle.f32 v6, $0.0e+00;
	v50 =	vld [tilespmem:$0x1FE80];
	[tilespmem:$0x1FE90] =	vst v15;
	vm0 =	vmand vm0, vm10  }
0x89: {  	v51 =	vld [tilespmem:$0x1FE90];
	[tilespmem:$0x1FED0] =	vst v17;
	vm10 =	vnez.u8 v44;
	v17 =	vsel vm0, $0xFFFFFFFF, v42;
	vm0 =	vnez.u8 v43  }
0x8a: {  	v22 =	vld [tilespmem:s11+$0x40];
	vm8 =	vgt.f32 v6, $0.0e+00;
	vm10 =	vmand vm0, vm10;
	vm0 =	vnez.u8 v45  }
0x8b: {  	v61 =	vimm.s32 $0x0;
	vm15 =	vle.f32 v8, $0.0e+00;
	v53 =	vld [tilespmem:$0x1FEA0];
	vm0 =	vmand vm0, vm13  }
0x8c: {  	vm12 =	vgt.f32 v7, $0.0e+00;
	v10 =	vld [tilespmem:s11+$0x41];
	[tilespmem:$0x1FEF0] =	vst v17;
	v17 =	vsel vm0, $0xFFFFFFFF, v46;
	vm0 =	vnez.u8 v47  }
0x8d: {  	v62 =	vimm.s32 $0x0;
	vm6 =	vle.f32 v9, $0.0e+00;
	[tilespmem:$0x1FEC0] =	vst v11;
	v55 =	vld [tilespmem:$0x1FEB0];
	vm0 =	vmand vm0, vm8  }
0x8e: {  	v57 =	vld [tilespmem:$0x1FEC0];
	[tilespmem:$0x1FF00] =	vst v17;
	vm8 =	vnez.u8 v51;
	v17 =	vsel vm0, $0xFFFFFFFF, v48;
	vm0 =	vnez.u8 v50  }
0x8f: {  	vm7 =	vgt.f32 v9, $0.0e+00;
	v49 =	vsub.f32 v34, v9;
	v58 =	vld [tilespmem:$0x1FED0];
	vm0 =	vmand vm0, vm8  }
0x90: {  	v11 =	vsub.f32 v9, v21;
	v18 =	vsel vm0, $0xFFFFFFFF, v52;
	vm0 =	vnez.u8 v53  }
0x91: {  	v27 =	vld [tilespmem:s11+$0xFFFFFFF2];
	v63 =	vimm.s32 $0x0;
	vm1 =	vle.f32 v10, $0.0e+00;
	vm0 =	vmand vm0, vm12  }
0x92: {  	vm9 =	vle.f32 v11, $0.0e+00;
	[tilespmem:$0x1FF20] =	vst v18;
	v18 =	vsel vm0, $0xFFFFFFFF, v54;
	vm0 =	vnez.u8 v55  }
0x93: {  	vm14 =	vgt.f32 v11, $0.0e+00;
	v11 =	vsub.f32 v10, v22;
	vm0 =	vmand vm0, vm15  }
0x94: {  	vm8 =	vnez.u8 v58;
	[tilespmem:$0x1FF40] =	vst v18;
	v18 =	vsel vm0, $0xFFFFFFFF, v56;
	vm0 =	vnez.u8 v57  }
0x95: {  	vm4 =	vle.f32 v11, $0.0e+00;
	vm3 =	vgt.f32 v11, $0.0e+00;
	vm0 =	vmand vm0, vm8  }
0x96: {  	v11 =	vsub.f32 v27, v5;
	[tilespmem:$0x1FF50] =	vst v18;
	v18 =	vsel vm0, $0xFFFFFFFF, v59;
	vm0 =	vmand vm9, vm6  }
0x97: {  	vm2 =	vgt.f32 v10, $0.0e+00;
	[tilespmem:$0x1FF60] =	vst v18;
	v18 =	vsel vm0, $0xFFFFFFFF, v60;
	vm0 =	vmand vm14, vm7  }
0x98: {  	vm6 =	vle.f32 v11, $0.0e+00;
	[tilespmem:$0x1FF70] =	vst v18;
	v18 =	vsel vm0, $0xFFFFFFFF, v61;
	vm0 =	vmand vm4, vm1  }
0x99: {  	vm4 =	vgt.f32 v11, $0.0e+00;
	[tilespmem:$0x1FF80] =	vst v18;
	v18 =	vsel vm0, $0xFFFFFFFF, v62;
	vm0 =	vmand vm3, vm2  }
0x9a: {  	v11 =	vimm.s32 $0x0;
	[tilespmem:$0x1FFA0] =	vst v18;
	v18 =	vsel vm0, $0xFFFFFFFF, v63;
	vm0 =	vle.f32 v49, $0.0e+00  }
0x9b: {  	[tilespmem:$0x1FEE0] =	vst v16;
	v11 =	vsel vm0, $0xFFFFFFFF, v11  }
0x9c: {  	[tilespmem:$0x1FF90] =	vst v11;
	v11 =	vld [tilespmem:$0x1FEE0];
	_ =	sdelay $0x1  }
0x9d: {  	v25 =	vld [tilespmem:s11+$0xFFFFFFE2];
	_ =	sdelay $0x2  }
0x9e: {  	vm3 =	vnez.u8 v11;
	v11 =	vld [tilespmem:$0x1FEF0];
	_ =	sdelay $0x1  }
0x9f: {  	v12 =	vsub.f32 v25, v4;
	_ =	sdelay $0x1  }
0xa0: {  	vm2 =	vle.f32 v12, $0.0e+00  }
0xa1: {  	vm3 =	vmand vm3, vm2;
	vm2 =	vnez.u8 v11;
	v11 =	vld [tilespmem:$0x1FF00];
	_ =	sdelay $0x3  }
0xa2: {  	[tilespmem:$0x1FF10] =	vst v17;
	vm1 =	vgt.f32 v12, $0.0e+00  }
0xa3: {  	vm1 =	vmand vm5, vm1;
	vm5 =	vmand vm2, vm4;
	vm2 =	vnez.u8 v11;
	v11 =	vld [tilespmem:$0x1FF10];
	_ =	sdelay $0x1  }
0xa4: {  	v29 =	vld [tilespmem:s11+$0x2];
	_ =	sdelay $0x2  }
0xa5: {  	vm4 =	vnez.u8 v11;
	v11 =	vld [tilespmem:$0x1FF20];
	_ =	sdelay $0x1  }
0xa6: {  	v31 =	vld [tilespmem:s11+$0x12];
	v36 =	vsub.f32 v29, v6;
	_ =	sdelay $0x1  }
0xa7: {  	vm11 =	vle.f32 v36, $0.0e+00;
	vm7 =	vgt.f32 v36, $0.0e+00;
	[tilespmem:$0x1FF30] =	vst v18  }
0xa8: {  	vm2 =	vmand vm2, vm7;
	vm7 =	vmand vm4, vm11;
	vm4 =	vnez.u8 v11;
	v11 =	vld [tilespmem:$0x1FF30];
	_ =	sdelay $0x1  }
0xa9: {  	v39 =	vsub.f32 v31, v7;
	_ =	sdelay $0x1  }
0xaa: {  	vm15 =	vgt.f32 v39, $0.0e+00  }
0xab: {  	vm4 =	vmand vm4, vm15;
	vm15 =	vnez.u8 v11;
	v11 =	vld [tilespmem:$0x1FF40];
	_ =	sdelay $0x4  }
0xac: {  	vm10 =	vmand vm10, vm6;
	vm6 =	vnez.u8 v11;
	v11 =	vld [tilespmem:$0x1FF50];
	_ =	sdelay $0x1  }
0xad: {  	v33 =	vld [tilespmem:s11+$0x22];
	_ =	sdelay $0x1  }
0xae: {  	vm8 =	vle.f32 v39, $0.0e+00  }
0xaf: {  	vm11 =	vmand vm6, vm8;
	vm6 =	vnez.u8 v11;
	v11 =	vld [tilespmem:$0x1FF60];
	_ =	sdelay $0x1  }
0xb0: {  	v14 =	vsub.f32 v33, v8;
	_ =	sdelay $0x1  }
0xb1: {  	vm13 =	vgt.f32 v14, $0.0e+00  }
0xb2: {  	vm8 =	vmand vm6, vm13;
	vm6 =	vnez.u8 v11;
	v11 =	vld [tilespmem:$0x1FF70];
	_ =	sdelay $0x3  }
0xb3: {  	vm9 =	vle.f32 v14, $0.0e+00  }
0xb4: {  	vm13 =	vmand vm6, vm9;
	vm6 =	vnez.u8 v11;
	v11 =	vld [tilespmem:$0x1FF80];
	_ =	sdelay $0x4  }
0xb5: {  	vm9 =	vnez.u8 v11;
	v11 =	vld [tilespmem:$0x1FF90];
	_ =	sdelay $0x2  }
0xb6: {  	v35 =	vld [tilespmem:s11+$0x42]  }
0xb7: {  	vm12 =	vgt.f32 v49, $0.0e+00  }
0xb8: {  	s10 =	sadd.s32 $0x80, s10;
	vm6 =	vmand vm6, vm12;
	vm12 =	vnez.u8 v11;
	v11 =	vld [tilespmem:$0x1FFA0]  }
0xb9: {  	p1 =	slt.u32 s10, $0x3FC0  }
.Ltmp2:
0xba: {  	_ = 	snop;
	(pc) =	sbr.rel @p1 .LBB2_6-.Ltmp2, $3  }
0xbb: {  	v13 =	vsub.f32 v35, v10;
	_ =	sdelay $0x1  }
0xbc: {  	vm0 =	vgt.f32 v13, $0.0e+00;
	vm12 =	vmand vm9, vm12;
	vm9 =	vnez.u8 v11  }
0xbd: {  	s11 =	sadd.s32 $0x80, s11;
	vm14 =	vle.f32 v13, $0.0e+00;
	vm9 =	vmand vm9, vm0  }
0xbe: {  	vm0 =	vmor vm1, vm3;
	vm1 =	vmor vm5, vm10;
	v4 =	vand.u32 $0x7FFFFFFF, v4  }
0xbf: {  	vm15 =	vmand vm15, vm14;
	v5 =	vand.u32 $0x7FFFFFFF, v5;
	v4 =	vnsel vm0, $0xBF800000, v4  }
0xc0: {  	vm10 =	vmor vm2, vm7;
	v6 =	vand.u32 $0x7FFFFFFF, v6;
	v5 =	vnsel vm1, $0xBF800000, v5;
	[tilespmem:s9+$0xFFFFFFE0] =	vst v4  }
0xc1: {  	vm14 =	vmor vm6, vm12;
	v63 =	vand.u32 $0x7FFFFFFF, v9;
	v6 =	vnsel vm10, $0xBF800000, v6;
	[tilespmem:s9+$0xFFFFFFF0] =	vst v5  }
.Ltmp3:
0xc2: {  	vm11 =	vmor vm4, vm11;
	v4 =	vand.u32 $0x7FFFFFFF, v7;
	[tilespmem:s9+$0x0] =	vst v6;
	v6 =	vnsel vm14, $0xBF800000, v63;
	(pc) =	sbr.rel .LBB2_8-.Ltmp3, $4  }
0xc3: {  	vm13 =	vmor vm8, vm13;
	v5 =	vand.u32 $0x7FFFFFFF, v8;
	v4 =	vnsel vm11, $0xBF800000, v4;
	[tilespmem:s9+$0x30] =	vst v6  }
0xc4: {  	vm15 =	vmor vm9, vm15;
	v5 =	vnsel vm13, $0xBF800000, v5;
	[tilespmem:s9+$0x10] =	vst v4;
	v4 =	vand.u32 $0x7FFFFFFF, v10  }
0xc5: {  	s10 =	simm.s32 $0x1;
	[tilespmem:s9+$0x20] =	vst v5;
	v4 =	vnsel vm15, $0xBF800000, v4  }
0xc6: {  	[smem:$0x0] =	sst s10;
	[tilespmem:s9+$0x40] =	vst v4;
	s9 =	simm.s32 $0x0  }
.LBB2_38:
0xc7: {  	s9 =	sadd.s32 $0x1, s9  }
0xc8: {  	p1 =	sne.s32 s9, $0x40  }
.Ltmp4:
0xc9: {  	_ = 	snop;
	(pc) =	sbr.rel @!p1 .LBB2_39-.Ltmp4, $1  }
0xca: {  	_ =	sdelay $0x3  }
.LBB2_8:
0xcb: {  	p1 =	seq.s32 s10, $0x0  }
.Ltmp5:
0xcc: {  	_ = 	snop;
	(pc) =	sbr.rel @p1 .LBB2_38-.Ltmp5, $2  }
0xcd: {  	_ =	sdelay $0x2  }
0xce: {  	s13 =	simm.s32 $0x4150;
	s11 =	simm.s32 $0xC350;
	s10 =	simm.s32 $0x0  }
0xcf: {  	v5 =	vld [tilespmem:s13+$0x40]  }
0xd0: {  	v6 =	vld [tilespmem:s13+$0x41]  }
0xd1: {  	v4 =	vld [tilespmem:s13+$0xFFFFFFD1]  }
0xd2: {  	v7 =	vld [tilespmem:s13+$0xFFFFFFE0]  }
0xd3: {  	v8 =	vld [tilespmem:s13+$0xFFFFFFE1]  }
0xd4: {  	v9 =	vld [tilespmem:s13+$0xFFFFFFF0]  }
0xd5: {  	v10 =	vld [tilespmem:s13+$0xFFFFFFF1]  }
0xd6: {  	v11 =	vld [tilespmem:s13+$0x0]  }
0xd7: {  	v12 =	vld [tilespmem:s13+$0x1]  }
0xd8: {  	v13 =	vld [tilespmem:s13+$0x10]  }
0xd9: {  	v14 =	vld [tilespmem:s13+$0x11]  }
0xda: {  	v6 =	vmax.f32 v5, v6;
	v5 =	vld [tilespmem:s13+$0x20]  }
0xdb: {  	[tilespmem:s11+$0x40] =	vst v6;
	v6 =	vmax.f32 v7, v8;
	v7 =	vld [tilespmem:s13+$0x21]  }
0xdc: {  	v8 =	vmax.f32 v9, v10;
	[tilespmem:s11+$0xFFFFFFE0] =	vst v6;
	v6 =	vld [tilespmem:s13+$0x30]  }
0xdd: {  	s12 =	simm.s32 $0x20;
	v9 =	vmax.f32 v11, v12;
	[tilespmem:s11+$0xFFFFFFF0] =	vst v8;
	v8 =	vld [tilespmem:s13+$0x31]  }
0xde: {  	s10 =	simm.s32 $0x10450;
	s14 =	simm.s32 $0x41D0;
	v10 =	vmax.f32 v13, v14;
	[tilespmem:s11+$0x0] =	vst v9;
	v9 =	vld [tilespmem:s13+$0xFFFFFFD0];
	s13 =	simm.s32 $0xC350  }
.LBB2_10:
0xdf: {  	v11 =	vld [tilespmem:s14+$0x40];
	[tilespmem:s13+$0x10] =	vst v10  }
0xe0: {  	s12 =	sadd.s32 $0x80, s12;
	v10 =	vld [tilespmem:s14+$0x41];
	v5 =	vmax.f32 v5, v7  }
0xe1: {  	p1 =	slt.u32 s12, $0x4020;
	v7 =	vld [tilespmem:s14+$0xFFFFFFD1];
	[tilespmem:s13+$0x20] =	vst v5  }
0xe2: {  	v5 =	vld [tilespmem:s14+$0xFFFFFFE0];
	v6 =	vmax.f32 v6, v8  }
0xe3: {  	v8 =	vld [tilespmem:s14+$0xFFFFFFE1];
	v4 =	vmax.f32 v9, v4;
	[tilespmem:s13+$0x30] =	vst v6  }
0xe4: {  	v6 =	vld [tilespmem:s14+$0xFFFFFFF0];
	[tilespmem:s13+$0xFFFFFFD0] =	vst v4  }
0xe5: {  	s13 =	sadd.s32 $0x80, s13;
	v9 =	vld [tilespmem:s14+$0xFFFFFFF1];
	v11 =	vmax.f32 v11, v10  }
0xe6: {  	v10 =	vld [tilespmem:s14+$0x0];
	[tilespmem:s13+$0x40] =	vst v11;
	v4 =	vmov v7  }
0xe7: {  	v11 =	vld [tilespmem:s14+$0x1]  }
0xe8: {  	v5 =	vmax.f32 v5, v8;
	v12 =	vld [tilespmem:s14+$0x10]  }
0xe9: {  	[tilespmem:s13+$0xFFFFFFE0] =	vst v5;
	v13 =	vld [tilespmem:s14+$0x11]  }
.Ltmp6:
0xea: {  	v6 =	vmax.f32 v6, v9;
	v5 =	vld [tilespmem:s14+$0x20];
	(pc) =	sbr.rel @p1 .LBB2_10-.Ltmp6, $4  }
0xeb: {  	[tilespmem:s13+$0xFFFFFFF0] =	vst v6;
	v7 =	vld [tilespmem:s14+$0x21]  }
0xec: {  	v8 =	vmax.f32 v10, v11;
	v6 =	vld [tilespmem:s14+$0x30]  }
0xed: {  	[tilespmem:s13+$0x0] =	vst v8;
	v8 =	vld [tilespmem:s14+$0x31]  }
0xee: {  	v9 =	vld [tilespmem:s14+$0xFFFFFFD0];
	v10 =	vmax.f32 v12, v13;
	s14 =	sadd.s32 $0x80, s14  }
0xef: {  	_ =	sdelay $0x1  }
0xf0: {  	[tilespmem:s13+$0x10] =	vst v10;
	v5 =	vmax.f32 v5, v7  }
0xf1: {  	[tilespmem:s13+$0x20] =	vst v5;
	v5 =	vmax.f32 v6, v8  }
0xf2: {  	v4 =	vmax.f32 v9, v4;
	[tilespmem:s13+$0x30] =	vst v5  }
0xf3: {  	[tilespmem:s13+$0xFFFFFFD0] =	vst v4  }
0xf4: {  	v5 =	vld [tilespmem:s11+$0x40]  }
0xf5: {  	v6 =	vld [tilespmem:s11+$0x42]  }
0xf6: {  	v4 =	vld [tilespmem:s11+$0xFFFFFFD2]  }
0xf7: {  	v7 =	vld [tilespmem:s11+$0xFFFFFFE0]  }
0xf8: {  	v8 =	vld [tilespmem:s11+$0xFFFFFFE2]  }
0xf9: {  	v9 =	vld [tilespmem:s11+$0xFFFFFFF0]  }
0xfa: {  	v10 =	vld [tilespmem:s11+$0xFFFFFFF2]  }
0xfb: {  	v11 =	vld [tilespmem:s11+$0x0]  }
0xfc: {  	v12 =	vld [tilespmem:s11+$0x2]  }
0xfd: {  	v13 =	vld [tilespmem:s11+$0x10]  }
0xfe: {  	v14 =	vld [tilespmem:s11+$0x12]  }
0xff: {  	v6 =	vmax.f32 v5, v6;
	v5 =	vld [tilespmem:s11+$0x20]  }
0x100: {  	[tilespmem:s10+$0x40] =	vst v6;
	v6 =	vmax.f32 v7, v8;
	v7 =	vld [tilespmem:s11+$0x22]  }
0x101: {  	v8 =	vmax.f32 v9, v10;
	[tilespmem:s10+$0xFFFFFFE0] =	vst v6;
	v6 =	vld [tilespmem:s11+$0x30]  }
0x102: {  	v9 =	vmax.f32 v11, v12;
	[tilespmem:s10+$0xFFFFFFF0] =	vst v8;
	v8 =	vld [tilespmem:s11+$0x32]  }
0x103: {  	s14 =	simm.s32 $0xC3D0;
	s12 =	simm.s32 $0x10450;
	s13 =	simm.s32 $0x20;
	v10 =	vmax.f32 v13, v14;
	[tilespmem:s10+$0x0] =	vst v9;
	v9 =	vld [tilespmem:s11+$0xFFFFFFD0]  }
.LBB2_12:
0x104: {  	v11 =	vld [tilespmem:s14+$0x40];
	[tilespmem:s12+$0x10] =	vst v10  }
0x105: {  	s13 =	sadd.s32 $0x80, s13;
	v10 =	vld [tilespmem:s14+$0x42];
	v5 =	vmax.f32 v5, v7  }
0x106: {  	p1 =	slt.u32 s13, $0x4020;
	v7 =	vld [tilespmem:s14+$0xFFFFFFD2];
	[tilespmem:s12+$0x20] =	vst v5  }
0x107: {  	v5 =	vld [tilespmem:s14+$0xFFFFFFE0];
	v6 =	vmax.f32 v6, v8  }
0x108: {  	v8 =	vld [tilespmem:s14+$0xFFFFFFE2];
	v4 =	vmax.f32 v9, v4;
	[tilespmem:s12+$0x30] =	vst v6  }
0x109: {  	v6 =	vld [tilespmem:s14+$0xFFFFFFF0];
	[tilespmem:s12+$0xFFFFFFD0] =	vst v4  }
0x10a: {  	s12 =	sadd.s32 $0x80, s12;
	v9 =	vld [tilespmem:s14+$0xFFFFFFF2];
	v11 =	vmax.f32 v11, v10  }
0x10b: {  	s11 =	simm.s32 $0xC350;
	v10 =	vld [tilespmem:s14+$0x0];
	[tilespmem:s12+$0x40] =	vst v11;
	v4 =	vmov v7  }
0x10c: {  	v11 =	vld [tilespmem:s14+$0x2]  }
0x10d: {  	v5 =	vmax.f32 v5, v8;
	v12 =	vld [tilespmem:s14+$0x10]  }
0x10e: {  	[tilespmem:s12+$0xFFFFFFE0] =	vst v5;
	v13 =	vld [tilespmem:s14+$0x12]  }
.Ltmp7:
0x10f: {  	v6 =	vmax.f32 v6, v9;
	v5 =	vld [tilespmem:s14+$0x20];
	(pc) =	sbr.rel @p1 .LBB2_12-.Ltmp7, $4  }
0x110: {  	[tilespmem:s12+$0xFFFFFFF0] =	vst v6;
	v7 =	vld [tilespmem:s14+$0x22]  }
0x111: {  	v8 =	vmax.f32 v10, v11;
	v6 =	vld [tilespmem:s14+$0x30]  }
0x112: {  	[tilespmem:s12+$0x0] =	vst v8;
	v8 =	vld [tilespmem:s14+$0x32]  }
0x113: {  	v9 =	vld [tilespmem:s14+$0xFFFFFFD0];
	v10 =	vmax.f32 v12, v13;
	s14 =	sadd.s32 $0x80, s14  }
0x114: {  	_ =	sdelay $0x1  }
0x115: {  	[tilespmem:s12+$0x10] =	vst v10;
	v5 =	vmax.f32 v5, v7  }
0x116: {  	[tilespmem:s12+$0x20] =	vst v5;
	v5 =	vmax.f32 v6, v8  }
0x117: {  	v4 =	vmax.f32 v9, v4;
	[tilespmem:s12+$0x30] =	vst v5  }
0x118: {  	[tilespmem:s12+$0xFFFFFFD0] =	vst v4  }
0x119: {  	v5 =	vld [tilespmem:s10+$0x40]  }
0x11a: {  	v6 =	vld [tilespmem:s10+$0x44]  }
0x11b: {  	v4 =	vld [tilespmem:s10+$0xFFFFFFD4]  }
0x11c: {  	v7 =	vld [tilespmem:s10+$0xFFFFFFE0]  }
0x11d: {  	v8 =	vld [tilespmem:s10+$0xFFFFFFE4]  }
0x11e: {  	v9 =	vld [tilespmem:s10+$0xFFFFFFF0]  }
0x11f: {  	v10 =	vld [tilespmem:s10+$0xFFFFFFF4]  }
0x120: {  	v11 =	vld [tilespmem:s10+$0x0]  }
0x121: {  	v12 =	vld [tilespmem:s10+$0x4]  }
0x122: {  	v13 =	vld [tilespmem:s10+$0x10]  }
0x123: {  	v14 =	vld [tilespmem:s10+$0x14]  }
0x124: {  	v6 =	vmax.f32 v5, v6;
	v5 =	vld [tilespmem:s10+$0x20]  }
0x125: {  	[tilespmem:s11+$0x40] =	vst v6;
	v6 =	vmax.f32 v7, v8;
	v7 =	vld [tilespmem:s10+$0x24]  }
0x126: {  	v8 =	vmax.f32 v9, v10;
	[tilespmem:s11+$0xFFFFFFE0] =	vst v6;
	v6 =	vld [tilespmem:s10+$0x30]  }
0x127: {  	v9 =	vmax.f32 v11, v12;
	[tilespmem:s11+$0xFFFFFFF0] =	vst v8;
	v8 =	vld [tilespmem:s10+$0x34]  }
0x128: {  	s13 =	simm.s32 $0x20;
	s14 =	simm.s32 $0x104D0;
	s12 =	simm.s32 $0xC350;
	v10 =	vmax.f32 v13, v14;
	[tilespmem:s11+$0x0] =	vst v9;
	v9 =	vld [tilespmem:s10+$0xFFFFFFD0]  }
.LBB2_14:
0x129: {  	v11 =	vld [tilespmem:s14+$0x40];
	[tilespmem:s12+$0x10] =	vst v10  }
0x12a: {  	s13 =	sadd.s32 $0x80, s13;
	v10 =	vld [tilespmem:s14+$0x44];
	v5 =	vmax.f32 v5, v7  }
0x12b: {  	p1 =	slt.u32 s13, $0x4020;
	v7 =	vld [tilespmem:s14+$0xFFFFFFD4];
	[tilespmem:s12+$0x20] =	vst v5  }
0x12c: {  	v5 =	vld [tilespmem:s14+$0xFFFFFFE0];
	v6 =	vmax.f32 v6, v8  }
0x12d: {  	v8 =	vld [tilespmem:s14+$0xFFFFFFE4];
	v4 =	vmax.f32 v9, v4;
	[tilespmem:s12+$0x30] =	vst v6  }
0x12e: {  	v6 =	vld [tilespmem:s14+$0xFFFFFFF0];
	[tilespmem:s12+$0xFFFFFFD0] =	vst v4  }
0x12f: {  	s12 =	sadd.s32 $0x80, s12;
	v9 =	vld [tilespmem:s14+$0xFFFFFFF4];
	v11 =	vmax.f32 v11, v10  }
0x130: {  	s10 =	simm.s32 $0x10450;
	v10 =	vld [tilespmem:s14+$0x0];
	[tilespmem:s12+$0x40] =	vst v11;
	v4 =	vmov v7  }
0x131: {  	v11 =	vld [tilespmem:s14+$0x4]  }
0x132: {  	v5 =	vmax.f32 v5, v8;
	v12 =	vld [tilespmem:s14+$0x10]  }
0x133: {  	[tilespmem:s12+$0xFFFFFFE0] =	vst v5;
	v13 =	vld [tilespmem:s14+$0x14]  }
.Ltmp8:
0x134: {  	v6 =	vmax.f32 v6, v9;
	v5 =	vld [tilespmem:s14+$0x20];
	(pc) =	sbr.rel @p1 .LBB2_14-.Ltmp8, $4  }
0x135: {  	[tilespmem:s12+$0xFFFFFFF0] =	vst v6;
	v7 =	vld [tilespmem:s14+$0x24]  }
0x136: {  	v8 =	vmax.f32 v10, v11;
	v6 =	vld [tilespmem:s14+$0x30]  }
0x137: {  	[tilespmem:s12+$0x0] =	vst v8;
	v8 =	vld [tilespmem:s14+$0x34]  }
0x138: {  	v9 =	vld [tilespmem:s14+$0xFFFFFFD0];
	v10 =	vmax.f32 v12, v13;
	s14 =	sadd.s32 $0x80, s14  }
0x139: {  	_ =	sdelay $0x1  }
0x13a: {  	[tilespmem:s12+$0x10] =	vst v10;
	v5 =	vmax.f32 v5, v7  }
0x13b: {  	[tilespmem:s12+$0x20] =	vst v5;
	v5 =	vmax.f32 v6, v8  }
0x13c: {  	v4 =	vmax.f32 v9, v4;
	[tilespmem:s12+$0x30] =	vst v5  }
0x13d: {  	[tilespmem:s12+$0xFFFFFFD0] =	vst v4  }
0x13e: {  	v5 =	vld [tilespmem:s11+$0x40]  }
0x13f: {  	v6 =	vld [tilespmem:s11+$0x48]  }
0x140: {  	v4 =	vld [tilespmem:s11+$0xFFFFFFD8]  }
0x141: {  	v7 =	vld [tilespmem:s11+$0xFFFFFFE0]  }
0x142: {  	v8 =	vld [tilespmem:s11+$0xFFFFFFE8]  }
0x143: {  	v9 =	vld [tilespmem:s11+$0xFFFFFFF0]  }
0x144: {  	v10 =	vld [tilespmem:s11+$0xFFFFFFF8]  }
0x145: {  	v11 =	vld [tilespmem:s11+$0x0]  }
0x146: {  	v12 =	vld [tilespmem:s11+$0x8]  }
0x147: {  	v13 =	vld [tilespmem:s11+$0x10]  }
0x148: {  	v14 =	vld [tilespmem:s11+$0x18]  }
0x149: {  	v6 =	vmax.f32 v5, v6;
	v5 =	vld [tilespmem:s11+$0x20]  }
0x14a: {  	[tilespmem:s10+$0x40] =	vst v6;
	v6 =	vmax.f32 v7, v8;
	v7 =	vld [tilespmem:s11+$0x28]  }
0x14b: {  	v8 =	vmax.f32 v9, v10;
	[tilespmem:s10+$0xFFFFFFE0] =	vst v6;
	v6 =	vld [tilespmem:s11+$0x30]  }
0x14c: {  	v9 =	vmax.f32 v11, v12;
	[tilespmem:s10+$0xFFFFFFF0] =	vst v8;
	v8 =	vld [tilespmem:s11+$0x38]  }
0x14d: {  	s13 =	simm.s32 $0x20;
	s14 =	simm.s32 $0xC3D0;
	s12 =	simm.s32 $0x10450;
	v10 =	vmax.f32 v13, v14;
	[tilespmem:s10+$0x0] =	vst v9;
	v9 =	vld [tilespmem:s11+$0xFFFFFFD0]  }
.LBB2_16:
0x14e: {  	v11 =	vld [tilespmem:s14+$0x40];
	[tilespmem:s12+$0x10] =	vst v10  }
0x14f: {  	s13 =	sadd.s32 $0x80, s13;
	v10 =	vld [tilespmem:s14+$0x48];
	v5 =	vmax.f32 v5, v7  }
0x150: {  	p1 =	slt.u32 s13, $0x4020;
	v7 =	vld [tilespmem:s14+$0xFFFFFFD8];
	[tilespmem:s12+$0x20] =	vst v5  }
0x151: {  	v5 =	vld [tilespmem:s14+$0xFFFFFFE0];
	v6 =	vmax.f32 v6, v8  }
0x152: {  	v8 =	vld [tilespmem:s14+$0xFFFFFFE8];
	v4 =	vmax.f32 v9, v4;
	[tilespmem:s12+$0x30] =	vst v6  }
0x153: {  	v6 =	vld [tilespmem:s14+$0xFFFFFFF0];
	[tilespmem:s12+$0xFFFFFFD0] =	vst v4  }
0x154: {  	s12 =	sadd.s32 $0x80, s12;
	v9 =	vld [tilespmem:s14+$0xFFFFFFF8];
	v11 =	vmax.f32 v11, v10  }
0x155: {  	s11 =	simm.s32 $0xC350;
	v10 =	vld [tilespmem:s14+$0x0];
	[tilespmem:s12+$0x40] =	vst v11;
	v4 =	vmov v7  }
0x156: {  	v11 =	vld [tilespmem:s14+$0x8]  }
0x157: {  	v5 =	vmax.f32 v5, v8;
	v12 =	vld [tilespmem:s14+$0x10]  }
0x158: {  	[tilespmem:s12+$0xFFFFFFE0] =	vst v5;
	v13 =	vld [tilespmem:s14+$0x18]  }
.Ltmp9:
0x159: {  	v6 =	vmax.f32 v6, v9;
	v5 =	vld [tilespmem:s14+$0x20];
	(pc) =	sbr.rel @p1 .LBB2_16-.Ltmp9, $4  }
0x15a: {  	[tilespmem:s12+$0xFFFFFFF0] =	vst v6;
	v7 =	vld [tilespmem:s14+$0x28]  }
0x15b: {  	v8 =	vmax.f32 v10, v11;
	v6 =	vld [tilespmem:s14+$0x30]  }
0x15c: {  	[tilespmem:s12+$0x0] =	vst v8;
	v8 =	vld [tilespmem:s14+$0x38]  }
0x15d: {  	v9 =	vld [tilespmem:s14+$0xFFFFFFD0];
	v10 =	vmax.f32 v12, v13;
	s14 =	sadd.s32 $0x80, s14  }
0x15e: {  	_ =	sdelay $0x1  }
0x15f: {  	[tilespmem:s12+$0x10] =	vst v10;
	v5 =	vmax.f32 v5, v7  }
0x160: {  	[tilespmem:s12+$0x20] =	vst v5;
	v5 =	vmax.f32 v6, v8  }
0x161: {  	v4 =	vmax.f32 v9, v4;
	[tilespmem:s12+$0x30] =	vst v5  }
0x162: {  	[tilespmem:s12+$0xFFFFFFD0] =	vst v4  }
0x163: {  	v4 =	vld [tilespmem:s10+$0x40]  }
0x164: {  	v9 =	vld [tilespmem:s10+$0x50]  }
0x165: {  	v5 =	vld [tilespmem:s10+$0xFFFFFFE0]  }
0x166: {  	v10 =	vld [tilespmem:s10+$0xFFFFFFF0]  }
0x167: {  	v8 =	vld [tilespmem:s10+$0x0]  }
0x168: {  	v7 =	vld [tilespmem:s10+$0x10]  }
0x169: {  	v6 =	vld [tilespmem:s10+$0x20]  }
0x16a: {  	v11 =	vmax.f32 v4, v9;
	v9 =	vld [tilespmem:s10+$0x30]  }
0x16b: {  	s14 =	simm.s32 $0x20;
	s13 =	simm.s32 $0xC360;
	v12 =	vmax.f32 v5, v10;
	[tilespmem:s11+$0x40] =	vst v11;
	v11 =	vld [tilespmem:s10+$0xFFFFFFD0];
	s10 =	simm.s32 $0x104D0  }
.LBB2_18:
0x16c: {  	v13 =	vld [tilespmem:s10+$0x40];
	[tilespmem:s11+$0xFFFFFFE0] =	vst v12;
	v10 =	vmax.f32 v10, v8  }
0x16d: {  	s14 =	sadd.s32 $0x80, s14;
	v12 =	vld [tilespmem:s10+$0x50];
	[tilespmem:s11+$0xFFFFFFF0] =	vst v10;
	v8 =	vmax.f32 v8, v7  }
0x16e: {  	p1 =	slt.u32 s14, $0x4020;
	v14 =	vld [tilespmem:s10+$0xFFFFFFE0];
	[tilespmem:s11+$0x0] =	vst v8;
	v7 =	vmax.f32 v7, v6  }
0x16f: {  	v10 =	vld [tilespmem:s10+$0xFFFFFFF0];
	[tilespmem:s11+$0x10] =	vst v7;
	v6 =	vmax.f32 v6, v9;
	v9 =	vmax.f32 v9, v4  }
.Ltmp10:
0x170: {  	v8 =	vld [tilespmem:s10+$0x0];
	v5 =	vmax.f32 v11, v5;
	[tilespmem:s11+$0x20] =	vst v6;
	(pc) =	sbr.rel @p1 .LBB2_18-.Ltmp10, $4  }
0x171: {  	v7 =	vld [tilespmem:s10+$0x10];
	[tilespmem:s11+$0xFFFFFFD0] =	vst v5;
	v4 =	vmov v13  }
0x172: {  	v6 =	vld [tilespmem:s10+$0x20];
	v11 =	vmax.f32 v4, v12;
	[tilespmem:s11+$0x30] =	vst v9;
	s11 =	sadd.s32 $0x80, s11  }
0x173: {  	s12 =	simm.s32 $0x10450;
	v9 =	vld [tilespmem:s10+$0x30];
	[tilespmem:s11+$0x40] =	vst v11;
	v5 =	vmov v14  }
0x174: {  	v11 =	vld [tilespmem:s10+$0xFFFFFFD0];
	v12 =	vmax.f32 v5, v10;
	s10 =	sadd.s32 $0x80, s10  }
0x175: {  	[tilespmem:s11+$0xFFFFFFE0] =	vst v12;
	v10 =	vmax.f32 v10, v8  }
0x176: {  	[tilespmem:s11+$0xFFFFFFF0] =	vst v10;
	v8 =	vmax.f32 v8, v7  }
0x177: {  	[tilespmem:s11+$0x0] =	vst v8;
	v7 =	vmax.f32 v7, v6  }
0x178: {  	[tilespmem:s11+$0x10] =	vst v7;
	v6 =	vmax.f32 v6, v9  }
0x179: {  	v4 =	vmax.f32 v9, v4;
	[tilespmem:s11+$0x20] =	vst v6  }
0x17a: {  	v5 =	vmax.f32 v11, v5;
	[tilespmem:s11+$0x30] =	vst v4  }
0x17b: {  	[tilespmem:s11+$0xFFFFFFD0] =	vst v5  }
0x17c: {  	v6 =	vld [tilespmem:s13+$0x30]  }
0x17d: {  	v10 =	vld [tilespmem:s13+$0x50]  }
0x17e: {  	v4 =	vld [tilespmem:s13+$0xFFFFFFE0]  }
0x17f: {  	v12 =	vld [tilespmem:s13+$0xFFFFFFD0]  }
0x180: {  	v8 =	vld [tilespmem:s13+$0xFFFFFFF0]  }
0x181: {  	v5 =	vld [tilespmem:s13+$0x0]  }
0x182: {  	v9 =	vld [tilespmem:s13+$0x10]  }
0x183: {  	v7 =	vld [tilespmem:s13+$0x20]  }
0x184: {  	s14 =	simm.s32 $0x20;
	s10 =	simm.s32 $0x8260;
	v11 =	vmax.f32 v6, v10;
	v10 =	vld [tilespmem:s13+$0x40]  }
0x185: {  	s15 =	simm.s32 $0xC3E0;
	s11 =	simm.s32 $0x4170;
	v12 =	vmax.f32 v12, v8;
	[tilespmem:s12+$0x40] =	vst v11;
	v11 =	vld [tilespmem:s13+$0xFFFFFFC0];
	s13 =	simm.s32 $0x10450  }
.LBB2_20:
0x186: {  	v13 =	vld [tilespmem:s15+$0x30];
	[tilespmem:s13+$0xFFFFFFE0] =	vst v12;
	v12 =	vmax.f32 v4, v5  }
0x187: {  	s14 =	sadd.s32 $0x80, s14;
	v14 =	vld [tilespmem:s15+$0x50];
	[tilespmem:s13+$0xFFFFFFF0] =	vst v12;
	v8 =	vmax.f32 v8, v9;
	v6 =	vmax.f32 v9, v6  }
0x188: {  	p1 =	slt.u32 s14, $0x4020;
	v12 =	vld [tilespmem:s15+$0xFFFFFFE0];
	[tilespmem:s13+$0x0] =	vst v8;
	v5 =	vmax.f32 v5, v7  }
0x189: {  	v15 =	vld [tilespmem:s15+$0xFFFFFFD0];
	[tilespmem:s13+$0x10] =	vst v5;
	v7 =	vmax.f32 v7, v10  }
0x18a: {  	v8 =	vld [tilespmem:s15+$0xFFFFFFF0];
	v4 =	vmax.f32 v11, v4;
	[tilespmem:s13+$0x20] =	vst v6  }
.Ltmp11:
0x18b: {  	v5 =	vld [tilespmem:s15+$0x0];
	[tilespmem:s13+$0xFFFFFFD0] =	vst v4;
	v6 =	vmov v13;
	(pc) =	sbr.rel @p1 .LBB2_20-.Ltmp11, $4  }
0x18c: {  	v9 =	vld [tilespmem:s15+$0x10];
	v10 =	vmax.f32 v6, v14;
	[tilespmem:s13+$0x30] =	vst v7;
	s13 =	sadd.s32 $0x80, s13  }
0x18d: {  	v7 =	vld [tilespmem:s15+$0x20];
	[tilespmem:s13+$0x40] =	vst v10;
	v4 =	vmov v12  }
0x18e: {  	v10 =	vld [tilespmem:s15+$0x40]  }
0x18f: {  	v11 =	vld [tilespmem:s15+$0xFFFFFFC0];
	v12 =	vmax.f32 v15, v8;
	s15 =	sadd.s32 $0x80, s15  }
0x190: {  	[tilespmem:s13+$0xFFFFFFE0] =	vst v12;
	v60 =	vmax.f32 v4, v5  }
0x191: {  	[tilespmem:s13+$0xFFFFFFF0] =	vst v60;
	v8 =	vmax.f32 v8, v9  }
0x192: {  	v6 =	vmax.f32 v9, v6;
	[tilespmem:s13+$0x0] =	vst v8  }
0x193: {  	v5 =	vmax.f32 v5, v7;
	[tilespmem:s13+$0x20] =	vst v6  }
0x194: {  	[tilespmem:s13+$0x10] =	vst v5;
	v5 =	vmax.f32 v7, v10  }
0x195: {  	v4 =	vmax.f32 v11, v4;
	[tilespmem:s13+$0x30] =	vst v5  }
0x196: {  	[tilespmem:s13+$0xFFFFFFD0] =	vst v4  }
0x197: {  	v4 =	vld [tilespmem:s12+$0x40]  }
0x198: {  	v5 =	vld [tilespmem:s11+$0x60]  }
0x199: {  	v6 =	vld [tilespmem:s11+$0x40]  }
0x19a: {  	v7 =	vld [tilespmem:s11+$0xFFFFFFF0]  }
0x19b: {  	v8 =	vld [tilespmem:s10+$0x50]  }
0x19c: {  	v9 =	vld [tilespmem:s12+$0xFFFFFFE0]  }
0x19d: {  	v10 =	vld [tilespmem:s11+$0x0]  }
0x19e: {  	v11 =	vld [tilespmem:s12+$0xFFFFFFF0]  }
0x19f: {  	v12 =	vld [tilespmem:s12+$0x0]  }
0x1a0: {  	v13 =	vld [tilespmem:s11+$0x20]  }
0x1a1: {  	v14 =	vld [tilespmem:s12+$0x10]  }
0x1a2: {  	v15 =	vld [tilespmem:s11+$0x30]  }
0x1a3: {  	v16 =	vld [tilespmem:s11+$0x10]  }
0x1a4: {  	v17 =	vld [tilespmem:s12+$0x20]  }
0x1a5: {  	v18 =	vld [tilespmem:s12+$0x30]  }
0x1a6: {  	v61 =	vld [tilespmem:s11+$0x50];
	v4 =	vmax.f32 v4, v5;
	v5 =	vmax.f32 v12, v13  }
0x1a7: {  	vm0 =	vge.f32 v6, v4;
	vm1 =	vge.f32 v10, v5;
	v4 =	vld [tilespmem:s12+$0xFFFFFFD0];
	v5 =	vmax.f32 v14, v15  }
0x1a8: {  	v9 =	vmax.f32 v9, v10;
	vm2 =	vge.f32 v10, $0.0e+00;
	vm3 =	vge.f32 v16, v5;
	v5 =	vld [tilespmem:s11+$0xFFFFFFD0]  }
0x1a9: {  	vm4 =	vge.f32 v6, $0.0e+00;
	vm5 =	vge.f32 v16, $0.0e+00;
	v10 =	vmax.f32 v11, v16;
	v11 =	vld [tilespmem:s11+$0xFFFFFFE0]  }
0x1aa: {  	vm6 =	vge.f32 v7, $0.0e+00;
	vm0 =	vmand vm4, vm0;
	vm4 =	vge.f32 v7, v10;
	v10 =	vld [tilespmem:s10+$0xFFFFFFE0]  }
0x1ab: {  	v62 =	vmax.f32 v17, v6;
	vm1 =	vmand vm2, vm1;
	v8 =	vsel vm0, $0x3F800000, v8  }
0x1ac: {  	v63 =	vld [tilespmem:s10+$0xFFFFFFF0];
	vm0 =	vmand vm6, vm4;
	vm4 =	vge.f32 v13, $0.0e+00;
	v6 =	vmax.f32 v4, v7  }
0x1ad: {  	vm2 =	vmand vm5, vm3;
	v4 =	vld [tilespmem:s10+$0x0];
	vm3 =	vge.f32 v5, $0.0e+00;
	vm5 =	vge.f32 v5, v6  }
0x1ae: {  	vm6 =	vge.f32 v15, $0.0e+00;
	v7 =	vmax.f32 v18, v61;
	v5 =	vld [tilespmem:s10+$0x10];
	vm3 =	vmand vm3, vm5  }
0x1af: {  	vm7 =	vge.f32 v11, v9;
	v6 =	vld [tilespmem:s10+$0x20];
	vm5 =	vge.f32 v11, $0.0e+00;
	v9 =	vsel vm3, $0x3F800000, v10  }
0x1b0: {  	s14 =	simm.s32 $0x40;
	[tilespmem:s10+$0x50] =	vst v8;
	vm3 =	vge.f32 v13, v62;
	vm5 =	vmand vm5, vm7;
	vm7 =	vge.f32 v15, v7;
	v7 =	vld [tilespmem:s10+$0x30]  }
0x1b1: {  	s16 =	simm.s32 $0x104D0;
	s15 =	simm.s32 $0x8260;
	s13 =	simm.s32 $0x8250;
	v8 =	vld [tilespmem:s10+$0x40];
	vm3 =	vmand vm4, vm3;
	vm4 =	vmand vm6, vm7;
	[tilespmem:s10+$0xFFFFFFE0] =	vst v9;
	v9 =	vsel vm5, $0x3F800000, v63  }
.LBB2_22:
0x1b2: {  	v10 =	vld [tilespmem:s16+$0x40];
	[tilespmem:s10+$0xFFFFFFF0] =	vst v9;
	v4 =	vsel vm0, $0x3F800000, v4;
	s11 =	sadd.s32 $0x80, s11  }
0x1b3: {  	s14 =	sadd.s32 $0x80, s14;
	v9 =	vld [tilespmem:s11+$0x60];
	[tilespmem:s10+$0x0] =	vst v4;
	v4 =	vsel vm1, $0x3F800000, v5  }
0x1b4: {  	p1 =	slt.u32 s14, $0x3FC0;
	v5 =	vld [tilespmem:s11+$0x40];
	[tilespmem:s10+$0x10] =	vst v4;
	v4 =	vsel vm2, $0x3F800000, v6  }
0x1b5: {  	s10 =	sadd.s32 $0x80, s10;
	v6 =	vld [tilespmem:s11+$0xFFFFFFF0];
	[tilespmem:s15+$0x20] =	vst v4;
	v4 =	vsel vm3, $0x3F800000, v7  }
0x1b6: {  	v7 =	vld [tilespmem:s10+$0x50];
	[tilespmem:s15+$0x30] =	vst v4;
	v4 =	vsel vm4, $0x3F800000, v8  }
0x1b7: {  	v8 =	vld [tilespmem:s16+$0xFFFFFFE0];
	[tilespmem:s15+$0x40] =	vst v4;
	s15 =	smov.u32 s10  }
0x1b8: {  	v4 =	vld [tilespmem:s11+$0x0];
	v9 =	vmax.f32 v10, v9  }
0x1b9: {  	v10 =	vld [tilespmem:s16+$0xFFFFFFF0];
	vm0 =	vge.f32 v5, $0.0e+00;
	vm1 =	vge.f32 v5, v9  }
0x1ba: {  	v9 =	vld [tilespmem:s11+$0x10];
	vm2 =	vge.f32 v6, $0.0e+00;
	vm0 =	vmand vm0, vm1  }
0x1bb: {  	v11 =	vld [tilespmem:s16+$0x0];
	v7 =	vsel vm0, $0x3F800000, v7  }
0x1bc: {  	s12 =	simm.s32 $0xC350;
	v12 =	vld [tilespmem:s11+$0x20];
	[tilespmem:s10+$0x50] =	vst v7  }
0x1bd: {  	v7 =	vmax.f32 v8, v4;
	vm1 =	vge.f32 v4, $0.0e+00;
	v8 =	vld [tilespmem:s16+$0x10]  }
0x1be: {  	v13 =	vld [tilespmem:s11+$0x30]  }
0x1bf: {  	v10 =	vmax.f32 v10, v9;
	vm3 =	vge.f32 v9, $0.0e+00;
	v14 =	vld [tilespmem:s16+$0x20]  }
0x1c0: {  	vm0 =	vge.f32 v6, v10;
	v10 =	vld [tilespmem:s16+$0x30]  }
0x1c1: {  	vm0 =	vmand vm2, vm0;
	v11 =	vmax.f32 v11, v12;
	vm4 =	vge.f32 v12, $0.0e+00;
	v15 =	vld [tilespmem:s11+$0x50]  }
0x1c2: {  	v16 =	vld [tilespmem:s16+$0xFFFFFFD0];
	vm2 =	vge.f32 v4, v11  }
0x1c3: {  	v11 =	vld [tilespmem:s11+$0xFFFFFFD0];
	vm1 =	vmand vm1, vm2;
	v4 =	vmax.f32 v8, v13;
	vm5 =	vge.f32 v13, $0.0e+00  }
0x1c4: {  	v8 =	vld [tilespmem:s11+$0xFFFFFFE0];
	vm2 =	vge.f32 v9, v4;
	v4 =	vmax.f32 v14, v5  }
0x1c5: {  	v9 =	vld [tilespmem:s10+$0xFFFFFFE0];
	vm2 =	vmand vm3, vm2;
	vm3 =	vge.f32 v12, v4  }
0x1c6: {  	v12 =	vld [tilespmem:s10+$0xFFFFFFF0];
	vm3 =	vmand vm4, vm3;
	v5 =	vmax.f32 v10, v15  }
.Ltmp12:
0x1c7: {  	v6 =	vmax.f32 v16, v6;
	v4 =	vld [tilespmem:s10+$0x0];
	vm4 =	vge.f32 v13, v5;
	(pc) =	sbr.rel @p1 .LBB2_22-.Ltmp12, $4  }
0x1c8: {  	vm6 =	vge.f32 v11, $0.0e+00;
	vm7 =	vge.f32 v11, v6;
	v5 =	vld [tilespmem:s10+$0x10];
	vm4 =	vmand vm5, vm4  }
0x1c9: {  	vm5 =	vmand vm6, vm7;
	vm6 =	vge.f32 v8, $0.0e+00;
	vm7 =	vge.f32 v8, v7;
	v6 =	vld [tilespmem:s10+$0x20]  }
0x1ca: {  	v8 =	vsel vm5, $0x3F800000, v9;
	vm5 =	vmand vm6, vm7;
	v7 =	vld [tilespmem:s10+$0x30]  }
0x1cb: {  	s16 =	sadd.s32 $0x80, s16;
	[tilespmem:s10+$0xFFFFFFE0] =	vst v8;
	v9 =	vsel vm5, $0x3F800000, v12;
	v8 =	vld [tilespmem:s10+$0x40]  }
0x1cc: {  	[tilespmem:s10+$0xFFFFFFF0] =	vst v9;
	v4 =	vsel vm0, $0x3F800000, v4  }
0x1cd: {  	[tilespmem:s10+$0x0] =	vst v4;
	v4 =	vsel vm1, $0x3F800000, v5  }
0x1ce: {  	[tilespmem:s10+$0x10] =	vst v4;
	v4 =	vsel vm2, $0x3F800000, v6  }
0x1cf: {  	[tilespmem:s15+$0x20] =	vst v4;
	v4 =	vsel vm3, $0x3F800000, v7  }
0x1d0: {  	[tilespmem:s15+$0x30] =	vst v4;
	v4 =	vsel vm4, $0x3F800000, v8  }
0x1d1: {  	[tilespmem:s15+$0x40] =	vst v4  }
0x1d2: {  	v5 =	vld [tilespmem:s13+$0x40]  }
0x1d3: {  	v6 =	vld [tilespmem:s13+$0x41]  }
0x1d4: {  	v4 =	vld [tilespmem:s13+$0xFFFFFFD1]  }
0x1d5: {  	v7 =	vld [tilespmem:s13+$0xFFFFFFE0]  }
0x1d6: {  	v8 =	vld [tilespmem:s13+$0xFFFFFFE1]  }
0x1d7: {  	v9 =	vld [tilespmem:s13+$0xFFFFFFF0]  }
0x1d8: {  	v10 =	vld [tilespmem:s13+$0xFFFFFFF1]  }
0x1d9: {  	v11 =	vld [tilespmem:s13+$0x0]  }
0x1da: {  	v12 =	vld [tilespmem:s13+$0x1]  }
0x1db: {  	v13 =	vld [tilespmem:s13+$0x10]  }
0x1dc: {  	v14 =	vld [tilespmem:s13+$0x11]  }
0x1dd: {  	v6 =	vmax.f32 v5, v6;
	v5 =	vld [tilespmem:s13+$0x20]  }
0x1de: {  	[tilespmem:s12+$0x40] =	vst v6;
	v6 =	vmax.f32 v7, v8;
	v7 =	vld [tilespmem:s13+$0x21]  }
0x1df: {  	v8 =	vmax.f32 v9, v10;
	[tilespmem:s12+$0xFFFFFFE0] =	vst v6;
	v6 =	vld [tilespmem:s13+$0x30]  }
0x1e0: {  	v9 =	vmax.f32 v11, v12;
	[tilespmem:s12+$0xFFFFFFF0] =	vst v8;
	v8 =	vld [tilespmem:s13+$0x31]  }
0x1e1: {  	s14 =	simm.s32 $0x20;
	s11 =	simm.s32 $0xC350;
	v10 =	vmax.f32 v13, v14;
	[tilespmem:s12+$0x0] =	vst v9;
	v9 =	vld [tilespmem:s13+$0xFFFFFFD0];
	s13 =	simm.s32 $0x82D0  }
.LBB2_24:
0x1e2: {  	v11 =	vld [tilespmem:s13+$0x40];
	[tilespmem:s11+$0x10] =	vst v10  }
0x1e3: {  	s14 =	sadd.s32 $0x80, s14;
	v10 =	vld [tilespmem:s13+$0x41];
	v5 =	vmax.f32 v5, v7  }
0x1e4: {  	p1 =	slt.u32 s14, $0x4020;
	v7 =	vld [tilespmem:s13+$0xFFFFFFD1];
	[tilespmem:s11+$0x20] =	vst v5  }
0x1e5: {  	v5 =	vld [tilespmem:s13+$0xFFFFFFE0];
	v6 =	vmax.f32 v6, v8  }
0x1e6: {  	v8 =	vld [tilespmem:s13+$0xFFFFFFE1];
	v4 =	vmax.f32 v9, v4;
	[tilespmem:s11+$0x30] =	vst v6  }
0x1e7: {  	v6 =	vld [tilespmem:s13+$0xFFFFFFF0];
	[tilespmem:s11+$0xFFFFFFD0] =	vst v4  }
0x1e8: {  	s11 =	sadd.s32 $0x80, s11;
	v9 =	vld [tilespmem:s13+$0xFFFFFFF1];
	v11 =	vmax.f32 v11, v10  }
0x1e9: {  	s10 =	simm.s32 $0x10450;
	v10 =	vld [tilespmem:s13+$0x0];
	[tilespmem:s11+$0x40] =	vst v11;
	v4 =	vmov v7  }
0x1ea: {  	v11 =	vld [tilespmem:s13+$0x1]  }
0x1eb: {  	v5 =	vmax.f32 v5, v8;
	v12 =	vld [tilespmem:s13+$0x10]  }
0x1ec: {  	[tilespmem:s11+$0xFFFFFFE0] =	vst v5;
	v13 =	vld [tilespmem:s13+$0x11]  }
.Ltmp13:
0x1ed: {  	v6 =	vmax.f32 v6, v9;
	v5 =	vld [tilespmem:s13+$0x20];
	(pc) =	sbr.rel @p1 .LBB2_24-.Ltmp13, $4  }
0x1ee: {  	[tilespmem:s11+$0xFFFFFFF0] =	vst v6;
	v7 =	vld [tilespmem:s13+$0x21]  }
0x1ef: {  	v8 =	vmax.f32 v10, v11;
	v6 =	vld [tilespmem:s13+$0x30]  }
0x1f0: {  	[tilespmem:s11+$0x0] =	vst v8;
	v8 =	vld [tilespmem:s13+$0x31]  }
0x1f1: {  	v9 =	vld [tilespmem:s13+$0xFFFFFFD0];
	v10 =	vmax.f32 v12, v13;
	s13 =	sadd.s32 $0x80, s13  }
0x1f2: {  	_ =	sdelay $0x1  }
0x1f3: {  	[tilespmem:s11+$0x10] =	vst v10;
	v5 =	vmax.f32 v5, v7  }
0x1f4: {  	[tilespmem:s11+$0x20] =	vst v5;
	v5 =	vmax.f32 v6, v8  }
0x1f5: {  	v4 =	vmax.f32 v9, v4;
	[tilespmem:s11+$0x30] =	vst v5  }
0x1f6: {  	[tilespmem:s11+$0xFFFFFFD0] =	vst v4  }
0x1f7: {  	v5 =	vld [tilespmem:s12+$0x40]  }
0x1f8: {  	v6 =	vld [tilespmem:s12+$0x42]  }
0x1f9: {  	v4 =	vld [tilespmem:s12+$0xFFFFFFD2]  }
0x1fa: {  	v7 =	vld [tilespmem:s12+$0xFFFFFFE0]  }
0x1fb: {  	v8 =	vld [tilespmem:s12+$0xFFFFFFE2]  }
0x1fc: {  	v9 =	vld [tilespmem:s12+$0xFFFFFFF0]  }
0x1fd: {  	v10 =	vld [tilespmem:s12+$0xFFFFFFF2]  }
0x1fe: {  	v11 =	vld [tilespmem:s12+$0x0]  }
0x1ff: {  	v12 =	vld [tilespmem:s12+$0x2]  }
0x200: {  	v13 =	vld [tilespmem:s12+$0x10]  }
0x201: {  	v14 =	vld [tilespmem:s12+$0x12]  }
0x202: {  	v6 =	vmax.f32 v5, v6;
	v5 =	vld [tilespmem:s12+$0x20]  }
0x203: {  	[tilespmem:s10+$0x40] =	vst v6;
	v6 =	vmax.f32 v7, v8;
	v7 =	vld [tilespmem:s12+$0x22]  }
0x204: {  	v8 =	vmax.f32 v9, v10;
	[tilespmem:s10+$0xFFFFFFE0] =	vst v6;
	v6 =	vld [tilespmem:s12+$0x30]  }
0x205: {  	v9 =	vmax.f32 v11, v12;
	[tilespmem:s10+$0xFFFFFFF0] =	vst v8;
	v8 =	vld [tilespmem:s12+$0x32]  }
0x206: {  	s13 =	simm.s32 $0x20;
	s14 =	simm.s32 $0xC3D0;
	v10 =	vmax.f32 v13, v14;
	[tilespmem:s10+$0x0] =	vst v9;
	v9 =	vld [tilespmem:s12+$0xFFFFFFD0];
	s12 =	simm.s32 $0x10450  }
.LBB2_26:
0x207: {  	v11 =	vld [tilespmem:s14+$0x40];
	[tilespmem:s12+$0x10] =	vst v10  }
0x208: {  	s13 =	sadd.s32 $0x80, s13;
	v10 =	vld [tilespmem:s14+$0x42];
	v5 =	vmax.f32 v5, v7  }
0x209: {  	p1 =	slt.u32 s13, $0x4020;
	v7 =	vld [tilespmem:s14+$0xFFFFFFD2];
	[tilespmem:s12+$0x20] =	vst v5  }
0x20a: {  	v5 =	vld [tilespmem:s14+$0xFFFFFFE0];
	v6 =	vmax.f32 v6, v8  }
0x20b: {  	v8 =	vld [tilespmem:s14+$0xFFFFFFE2];
	v4 =	vmax.f32 v9, v4;
	[tilespmem:s12+$0x30] =	vst v6  }
0x20c: {  	v6 =	vld [tilespmem:s14+$0xFFFFFFF0];
	[tilespmem:s12+$0xFFFFFFD0] =	vst v4  }
0x20d: {  	s12 =	sadd.s32 $0x80, s12;
	v9 =	vld [tilespmem:s14+$0xFFFFFFF2];
	v11 =	vmax.f32 v11, v10  }
0x20e: {  	s11 =	simm.s32 $0xC350;
	v10 =	vld [tilespmem:s14+$0x0];
	[tilespmem:s12+$0x40] =	vst v11;
	v4 =	vmov v7  }
0x20f: {  	v11 =	vld [tilespmem:s14+$0x2]  }
0x210: {  	v5 =	vmax.f32 v5, v8;
	v12 =	vld [tilespmem:s14+$0x10]  }
0x211: {  	[tilespmem:s12+$0xFFFFFFE0] =	vst v5;
	v13 =	vld [tilespmem:s14+$0x12]  }
.Ltmp14:
0x212: {  	v6 =	vmax.f32 v6, v9;
	v5 =	vld [tilespmem:s14+$0x20];
	(pc) =	sbr.rel @p1 .LBB2_26-.Ltmp14, $4  }
0x213: {  	[tilespmem:s12+$0xFFFFFFF0] =	vst v6;
	v7 =	vld [tilespmem:s14+$0x22]  }
0x214: {  	v8 =	vmax.f32 v10, v11;
	v6 =	vld [tilespmem:s14+$0x30]  }
0x215: {  	[tilespmem:s12+$0x0] =	vst v8;
	v8 =	vld [tilespmem:s14+$0x32]  }
0x216: {  	v9 =	vld [tilespmem:s14+$0xFFFFFFD0];
	v10 =	vmax.f32 v12, v13;
	s14 =	sadd.s32 $0x80, s14  }
0x217: {  	_ =	sdelay $0x1  }
0x218: {  	[tilespmem:s12+$0x10] =	vst v10;
	v5 =	vmax.f32 v5, v7  }
0x219: {  	[tilespmem:s12+$0x20] =	vst v5;
	v5 =	vmax.f32 v6, v8  }
0x21a: {  	v4 =	vmax.f32 v9, v4;
	[tilespmem:s12+$0x30] =	vst v5  }
0x21b: {  	[tilespmem:s12+$0xFFFFFFD0] =	vst v4  }
0x21c: {  	v5 =	vld [tilespmem:s10+$0x40]  }
0x21d: {  	v6 =	vld [tilespmem:s10+$0x44]  }
0x21e: {  	v4 =	vld [tilespmem:s10+$0xFFFFFFD4]  }
0x21f: {  	v7 =	vld [tilespmem:s10+$0xFFFFFFE0]  }
0x220: {  	v8 =	vld [tilespmem:s10+$0xFFFFFFE4]  }
0x221: {  	v9 =	vld [tilespmem:s10+$0xFFFFFFF0]  }
0x222: {  	v10 =	vld [tilespmem:s10+$0xFFFFFFF4]  }
0x223: {  	v11 =	vld [tilespmem:s10+$0x0]  }
0x224: {  	v12 =	vld [tilespmem:s10+$0x4]  }
0x225: {  	v13 =	vld [tilespmem:s10+$0x10]  }
0x226: {  	v14 =	vld [tilespmem:s10+$0x14]  }
0x227: {  	v6 =	vmax.f32 v5, v6;
	v5 =	vld [tilespmem:s10+$0x20]  }
0x228: {  	[tilespmem:s11+$0x40] =	vst v6;
	v6 =	vmax.f32 v7, v8;
	v7 =	vld [tilespmem:s10+$0x24]  }
0x229: {  	v8 =	vmax.f32 v9, v10;
	[tilespmem:s11+$0xFFFFFFE0] =	vst v6;
	v6 =	vld [tilespmem:s10+$0x30]  }
0x22a: {  	v9 =	vmax.f32 v11, v12;
	[tilespmem:s11+$0xFFFFFFF0] =	vst v8;
	v8 =	vld [tilespmem:s10+$0x34]  }
0x22b: {  	s13 =	simm.s32 $0x20;
	s14 =	simm.s32 $0x104D0;
	s12 =	simm.s32 $0xC350;
	v10 =	vmax.f32 v13, v14;
	[tilespmem:s11+$0x0] =	vst v9;
	v9 =	vld [tilespmem:s10+$0xFFFFFFD0]  }
.LBB2_28:
0x22c: {  	v11 =	vld [tilespmem:s14+$0x40];
	[tilespmem:s12+$0x10] =	vst v10  }
0x22d: {  	s13 =	sadd.s32 $0x80, s13;
	v10 =	vld [tilespmem:s14+$0x44];
	v5 =	vmax.f32 v5, v7  }
0x22e: {  	p1 =	slt.u32 s13, $0x4020;
	v7 =	vld [tilespmem:s14+$0xFFFFFFD4];
	[tilespmem:s12+$0x20] =	vst v5  }
0x22f: {  	v5 =	vld [tilespmem:s14+$0xFFFFFFE0];
	v6 =	vmax.f32 v6, v8  }
0x230: {  	v8 =	vld [tilespmem:s14+$0xFFFFFFE4];
	v4 =	vmax.f32 v9, v4;
	[tilespmem:s12+$0x30] =	vst v6  }
0x231: {  	v6 =	vld [tilespmem:s14+$0xFFFFFFF0];
	[tilespmem:s12+$0xFFFFFFD0] =	vst v4  }
0x232: {  	s12 =	sadd.s32 $0x80, s12;
	v9 =	vld [tilespmem:s14+$0xFFFFFFF4];
	v11 =	vmax.f32 v11, v10  }
0x233: {  	s10 =	simm.s32 $0x10450;
	v10 =	vld [tilespmem:s14+$0x0];
	[tilespmem:s12+$0x40] =	vst v11;
	v4 =	vmov v7  }
0x234: {  	v11 =	vld [tilespmem:s14+$0x4]  }
0x235: {  	v5 =	vmax.f32 v5, v8;
	v12 =	vld [tilespmem:s14+$0x10]  }
0x236: {  	[tilespmem:s12+$0xFFFFFFE0] =	vst v5;
	v13 =	vld [tilespmem:s14+$0x14]  }
.Ltmp15:
0x237: {  	v6 =	vmax.f32 v6, v9;
	v5 =	vld [tilespmem:s14+$0x20];
	(pc) =	sbr.rel @p1 .LBB2_28-.Ltmp15, $4  }
0x238: {  	[tilespmem:s12+$0xFFFFFFF0] =	vst v6;
	v7 =	vld [tilespmem:s14+$0x24]  }
0x239: {  	v8 =	vmax.f32 v10, v11;
	v6 =	vld [tilespmem:s14+$0x30]  }
0x23a: {  	[tilespmem:s12+$0x0] =	vst v8;
	v8 =	vld [tilespmem:s14+$0x34]  }
0x23b: {  	v9 =	vld [tilespmem:s14+$0xFFFFFFD0];
	v10 =	vmax.f32 v12, v13;
	s14 =	sadd.s32 $0x80, s14  }
0x23c: {  	_ =	sdelay $0x1  }
0x23d: {  	[tilespmem:s12+$0x10] =	vst v10;
	v5 =	vmax.f32 v5, v7  }
0x23e: {  	[tilespmem:s12+$0x20] =	vst v5;
	v5 =	vmax.f32 v6, v8  }
0x23f: {  	v4 =	vmax.f32 v9, v4;
	[tilespmem:s12+$0x30] =	vst v5  }
0x240: {  	[tilespmem:s12+$0xFFFFFFD0] =	vst v4  }
0x241: {  	v5 =	vld [tilespmem:s11+$0x40]  }
0x242: {  	v6 =	vld [tilespmem:s11+$0x48]  }
0x243: {  	v4 =	vld [tilespmem:s11+$0xFFFFFFD8]  }
0x244: {  	v7 =	vld [tilespmem:s11+$0xFFFFFFE0]  }
0x245: {  	v8 =	vld [tilespmem:s11+$0xFFFFFFE8]  }
0x246: {  	v9 =	vld [tilespmem:s11+$0xFFFFFFF0]  }
0x247: {  	v10 =	vld [tilespmem:s11+$0xFFFFFFF8]  }
0x248: {  	v11 =	vld [tilespmem:s11+$0x0]  }
0x249: {  	v12 =	vld [tilespmem:s11+$0x8]  }
0x24a: {  	v13 =	vld [tilespmem:s11+$0x10]  }
0x24b: {  	v14 =	vld [tilespmem:s11+$0x18]  }
0x24c: {  	v6 =	vmax.f32 v5, v6;
	v5 =	vld [tilespmem:s11+$0x20]  }
0x24d: {  	[tilespmem:s10+$0x40] =	vst v6;
	v6 =	vmax.f32 v7, v8;
	v7 =	vld [tilespmem:s11+$0x28]  }
0x24e: {  	v8 =	vmax.f32 v9, v10;
	[tilespmem:s10+$0xFFFFFFE0] =	vst v6;
	v6 =	vld [tilespmem:s11+$0x30]  }
0x24f: {  	v9 =	vmax.f32 v11, v12;
	[tilespmem:s10+$0xFFFFFFF0] =	vst v8;
	v8 =	vld [tilespmem:s11+$0x38]  }
0x250: {  	s13 =	simm.s32 $0x20;
	s14 =	simm.s32 $0xC3D0;
	s12 =	simm.s32 $0x10450;
	v10 =	vmax.f32 v13, v14;
	[tilespmem:s10+$0x0] =	vst v9;
	v9 =	vld [tilespmem:s11+$0xFFFFFFD0]  }
.LBB2_30:
0x251: {  	v11 =	vld [tilespmem:s14+$0x40];
	[tilespmem:s12+$0x10] =	vst v10  }
0x252: {  	s13 =	sadd.s32 $0x80, s13;
	v10 =	vld [tilespmem:s14+$0x48];
	v5 =	vmax.f32 v5, v7  }
0x253: {  	p1 =	slt.u32 s13, $0x4020;
	v7 =	vld [tilespmem:s14+$0xFFFFFFD8];
	[tilespmem:s12+$0x20] =	vst v5  }
0x254: {  	v5 =	vld [tilespmem:s14+$0xFFFFFFE0];
	v6 =	vmax.f32 v6, v8  }
0x255: {  	v8 =	vld [tilespmem:s14+$0xFFFFFFE8];
	v4 =	vmax.f32 v9, v4;
	[tilespmem:s12+$0x30] =	vst v6  }
0x256: {  	v6 =	vld [tilespmem:s14+$0xFFFFFFF0];
	[tilespmem:s12+$0xFFFFFFD0] =	vst v4  }
0x257: {  	s12 =	sadd.s32 $0x80, s12;
	v9 =	vld [tilespmem:s14+$0xFFFFFFF8];
	v11 =	vmax.f32 v11, v10  }
0x258: {  	s11 =	simm.s32 $0xC350;
	v10 =	vld [tilespmem:s14+$0x0];
	[tilespmem:s12+$0x40] =	vst v11;
	v4 =	vmov v7  }
0x259: {  	v11 =	vld [tilespmem:s14+$0x8]  }
0x25a: {  	v5 =	vmax.f32 v5, v8;
	v12 =	vld [tilespmem:s14+$0x10]  }
0x25b: {  	[tilespmem:s12+$0xFFFFFFE0] =	vst v5;
	v13 =	vld [tilespmem:s14+$0x18]  }
.Ltmp16:
0x25c: {  	v6 =	vmax.f32 v6, v9;
	v5 =	vld [tilespmem:s14+$0x20];
	(pc) =	sbr.rel @p1 .LBB2_30-.Ltmp16, $4  }
0x25d: {  	[tilespmem:s12+$0xFFFFFFF0] =	vst v6;
	v7 =	vld [tilespmem:s14+$0x28]  }
0x25e: {  	v8 =	vmax.f32 v10, v11;
	v6 =	vld [tilespmem:s14+$0x30]  }
0x25f: {  	[tilespmem:s12+$0x0] =	vst v8;
	v8 =	vld [tilespmem:s14+$0x38]  }
0x260: {  	v9 =	vld [tilespmem:s14+$0xFFFFFFD0];
	v10 =	vmax.f32 v12, v13;
	s14 =	sadd.s32 $0x80, s14  }
0x261: {  	_ =	sdelay $0x1  }
0x262: {  	[tilespmem:s12+$0x10] =	vst v10;
	v5 =	vmax.f32 v5, v7  }
0x263: {  	[tilespmem:s12+$0x20] =	vst v5;
	v5 =	vmax.f32 v6, v8  }
0x264: {  	v4 =	vmax.f32 v9, v4;
	[tilespmem:s12+$0x30] =	vst v5  }
0x265: {  	[tilespmem:s12+$0xFFFFFFD0] =	vst v4  }
0x266: {  	v4 =	vld [tilespmem:s10+$0x40]  }
0x267: {  	v9 =	vld [tilespmem:s10+$0x50]  }
0x268: {  	v5 =	vld [tilespmem:s10+$0xFFFFFFE0]  }
0x269: {  	v10 =	vld [tilespmem:s10+$0xFFFFFFF0]  }
0x26a: {  	v8 =	vld [tilespmem:s10+$0x0]  }
0x26b: {  	v7 =	vld [tilespmem:s10+$0x10]  }
0x26c: {  	v6 =	vld [tilespmem:s10+$0x20]  }
0x26d: {  	v11 =	vmax.f32 v4, v9;
	v9 =	vld [tilespmem:s10+$0x30]  }
0x26e: {  	s13 =	simm.s32 $0x20;
	v12 =	vmax.f32 v5, v10;
	[tilespmem:s11+$0x40] =	vst v11;
	v11 =	vld [tilespmem:s10+$0xFFFFFFD0];
	s10 =	simm.s32 $0x104D0  }
.LBB2_32:
0x26f: {  	v13 =	vld [tilespmem:s10+$0x40];
	[tilespmem:s11+$0xFFFFFFE0] =	vst v12;
	v10 =	vmax.f32 v10, v8  }
0x270: {  	s13 =	sadd.s32 $0x80, s13;
	v12 =	vld [tilespmem:s10+$0x50];
	[tilespmem:s11+$0xFFFFFFF0] =	vst v10;
	v8 =	vmax.f32 v8, v7  }
0x271: {  	p1 =	slt.u32 s13, $0x4020;
	v14 =	vld [tilespmem:s10+$0xFFFFFFE0];
	[tilespmem:s11+$0x0] =	vst v8;
	v7 =	vmax.f32 v7, v6  }
0x272: {  	v10 =	vld [tilespmem:s10+$0xFFFFFFF0];
	[tilespmem:s11+$0x10] =	vst v7;
	v6 =	vmax.f32 v6, v9;
	v9 =	vmax.f32 v9, v4  }
.Ltmp17:
0x273: {  	v8 =	vld [tilespmem:s10+$0x0];
	v5 =	vmax.f32 v11, v5;
	[tilespmem:s11+$0x20] =	vst v6;
	(pc) =	sbr.rel @p1 .LBB2_32-.Ltmp17, $4  }
0x274: {  	v7 =	vld [tilespmem:s10+$0x10];
	[tilespmem:s11+$0xFFFFFFD0] =	vst v5;
	v4 =	vmov v13  }
0x275: {  	v6 =	vld [tilespmem:s10+$0x20];
	v11 =	vmax.f32 v4, v12;
	[tilespmem:s11+$0x30] =	vst v9;
	s11 =	sadd.s32 $0x80, s11  }
0x276: {  	s14 =	simm.s32 $0xC360;
	s12 =	simm.s32 $0x10450;
	v9 =	vld [tilespmem:s10+$0x30];
	[tilespmem:s11+$0x40] =	vst v11;
	v5 =	vmov v14  }
0x277: {  	v11 =	vld [tilespmem:s10+$0xFFFFFFD0];
	v12 =	vmax.f32 v5, v10;
	s10 =	sadd.s32 $0x80, s10  }
0x278: {  	[tilespmem:s11+$0xFFFFFFE0] =	vst v12;
	v10 =	vmax.f32 v10, v8  }
0x279: {  	[tilespmem:s11+$0xFFFFFFF0] =	vst v10;
	v8 =	vmax.f32 v8, v7  }
0x27a: {  	[tilespmem:s11+$0x0] =	vst v8;
	v7 =	vmax.f32 v7, v6  }
0x27b: {  	[tilespmem:s11+$0x10] =	vst v7;
	v6 =	vmax.f32 v6, v9  }
0x27c: {  	v4 =	vmax.f32 v9, v4;
	[tilespmem:s11+$0x20] =	vst v6  }
0x27d: {  	v5 =	vmax.f32 v11, v5;
	[tilespmem:s11+$0x30] =	vst v4  }
0x27e: {  	[tilespmem:s11+$0xFFFFFFD0] =	vst v5  }
0x27f: {  	v6 =	vld [tilespmem:s14+$0x30]  }
0x280: {  	v10 =	vld [tilespmem:s14+$0x50]  }
0x281: {  	v5 =	vld [tilespmem:s14+$0xFFFFFFE0]  }
0x282: {  	v12 =	vld [tilespmem:s14+$0xFFFFFFD0]  }
0x283: {  	v7 =	vld [tilespmem:s14+$0xFFFFFFF0]  }
0x284: {  	v4 =	vld [tilespmem:s14+$0x0]  }
0x285: {  	v9 =	vld [tilespmem:s14+$0x10]  }
0x286: {  	v8 =	vld [tilespmem:s14+$0x20]  }
0x287: {  	v11 =	vmax.f32 v6, v10;
	v10 =	vld [tilespmem:s14+$0x40]  }
0x288: {  	s13 =	simm.s32 $0x20;
	s10 =	simm.s32 $0x4140;
	v13 =	vmax.f32 v12, v7;
	[tilespmem:s12+$0x40] =	vst v11;
	v11 =	vld [tilespmem:s14+$0xFFFFFFC0];
	s14 =	simm.s32 $0xC3E0  }
.LBB2_34:
0x289: {  	v12 =	vld [tilespmem:s14+$0x30];
	[tilespmem:s12+$0xFFFFFFE0] =	vst v13;
	v13 =	vmax.f32 v5, v4  }
0x28a: {  	s13 =	sadd.s32 $0x80, s13;
	v14 =	vld [tilespmem:s14+$0x50];
	[tilespmem:s12+$0xFFFFFFF0] =	vst v13;
	v7 =	vmax.f32 v7, v9;
	v6 =	vmax.f32 v9, v6  }
0x28b: {  	p1 =	slt.u32 s13, $0x4020;
	v13 =	vld [tilespmem:s14+$0xFFFFFFE0];
	[tilespmem:s12+$0x0] =	vst v7;
	v4 =	vmax.f32 v4, v8  }
0x28c: {  	v15 =	vld [tilespmem:s14+$0xFFFFFFD0];
	[tilespmem:s12+$0x10] =	vst v4;
	v8 =	vmax.f32 v8, v10  }
0x28d: {  	v7 =	vld [tilespmem:s14+$0xFFFFFFF0];
	v5 =	vmax.f32 v11, v5;
	[tilespmem:s12+$0x20] =	vst v6  }
.Ltmp18:
0x28e: {  	v4 =	vld [tilespmem:s14+$0x0];
	[tilespmem:s12+$0xFFFFFFD0] =	vst v5;
	v6 =	vmov v12;
	(pc) =	sbr.rel @p1 .LBB2_34-.Ltmp18, $4  }
0x28f: {  	s11 =	simm.s32 $0x10420;
	v9 =	vld [tilespmem:s14+$0x10];
	v10 =	vmax.f32 v6, v14;
	[tilespmem:s12+$0x30] =	vst v8;
	s12 =	sadd.s32 $0x80, s12  }
0x290: {  	s15 =	simm.s32 $0x8260;
	v12 =	vimm.f32 $-1.000000000e+00;
	v8 =	vld [tilespmem:s14+$0x20];
	[tilespmem:s12+$0x40] =	vst v10;
	v5 =	vmov v13  }
0x291: {  	v10 =	vld [tilespmem:s14+$0x40]  }
0x292: {  	v11 =	vld [tilespmem:s14+$0xFFFFFFC0];
	v13 =	vmax.f32 v15, v7;
	s14 =	sadd.s32 $0x80, s14  }
0x293: {  	[tilespmem:s12+$0xFFFFFFE0] =	vst v13;
	v63 =	vmax.f32 v5, v4  }
0x294: {  	[tilespmem:s12+$0xFFFFFFF0] =	vst v63;
	v7 =	vmax.f32 v7, v9  }
0x295: {  	v6 =	vmax.f32 v9, v6;
	[tilespmem:s12+$0x0] =	vst v7  }
0x296: {  	v4 =	vmax.f32 v4, v8;
	[tilespmem:s12+$0x20] =	vst v6  }
0x297: {  	[tilespmem:s12+$0x10] =	vst v4;
	v4 =	vmax.f32 v11, v5  }
0x298: {  	v5 =	vmax.f32 v8, v10;
	[tilespmem:s12+$0xFFFFFFD0] =	vst v4  }
0x299: {  	[tilespmem:s12+$0x30] =	vst v5  }
0x29a: {  	v4 =	vld [tilespmem:s15+$0x0]  }
0x29b: {  	v5 =	vld [tilespmem:s11+$0x0];
	_ =	sdelay $0x1  }
0x29c: {  	v6 =	vld [tilespmem:s10+$0x0];
	_ =	sdelay $0x2  }
0x29d: {  	v4 =	vmax.f32 v5, v4  }
0x29e: {  	vm0 =	vgt.f32 v4, $0.0e+00  }
0x29f: {  	v4 =	vsel vm0, $0xBF800000, v6  }
0x2a0: {  	s13 =	simm.s32 $0x8270;
	s12 =	simm.s32 $0x40;
	[tilespmem:s10+$0x0] =	vst v4;
	v4 =	vmax.f32 v12, v4  }
.LBB2_36:
0x2a1: {  	v5 =	vld [tilespmem:s13+$0x0];
	s11 =	sadd.s32 $0x10, s11  }
0x2a2: {  	s12 =	sadd.s32 $0x10, s12;
	v6 =	vld [tilespmem:s11+$0x0]  }
0x2a3: {  	s10 =	sadd.s32 $0x10, s10;
	p1 =	slt.u32 s12, $0x4030  }
0x2a4: {  	v7 =	vld [tilespmem:s10+$0x0];
	_ =	sdelay $0x1  }
.Ltmp19:
0x2a5: {  	(pc) =	sbr.rel @p1 .LBB2_36-.Ltmp19, $4  }
0x2a6: {  	v5 =	vmax.f32 v6, v5  }
0x2a7: {  	vm0 =	vgt.f32 v5, $0.0e+00  }
0x2a8: {  	v5 =	vsel vm0, $0xBF800000, v7  }
0x2a9: {  	s13 =	sadd.s32 $0x10, s13;
	[tilespmem:s10+$0x0] =	vst v5;
	v4 =	vmax.f32 v4, v5  }
0x2aa: {  	(v2sf) =	vpush v4, $0x0  }
0x2ab: {  	(v2sf) =	vpush v4, $0x1  }
0x2ac: {  	(v2sf) =	vpush v4, $0x2  }
0x2ad: {  	(v2sf) =	vpush v4, $0x3  }
0x2ae: {  	(v2sf) =	vpush v4, $0x4  }
0x2af: {  	(v2sf) =	vpush v4, $0x5  }
0x2b0: {  	(v2sf) =	vpush v4, $0x6  }
0x2b1: {  	(v2sf) =	vpush v4, $0x7  }
0x2b2: {  	(v2sf) =	vpush v4, $0x8  }
0x2b3: {  	(v2sf) =	vpush v4, $0x9  }
0x2b4: {  	(v2sf) =	vpush v4, $0xA  }
0x2b5: {  	(v2sf) =	vpush v4, $0xB  }
0x2b6: {  	(v2sf) =	vpush v4, $0xC  }
0x2b7: {  	(v2sf) =	vpush v4, $0xD  }
0x2b8: {  	(v2sf) =	vpush v4, $0xE  }
0x2b9: {  	s10 =	spop (v2sf);
	(v2sf) =	vpush v4, $0xF  }
0x2ba: {  	s11 =	spop (v2sf)  }
0x2bb: {  	s10 =	smax.f32 s10, s11;
	s17 =	spop (v2sf)  }
0x2bc: {  	s10 =	smax.f32 s10, s17;
	s18 =	spop (v2sf)  }
0x2bd: {  	s10 =	smax.f32 s10, s18;
	s19 =	spop (v2sf)  }
0x2be: {  	s10 =	smax.f32 s10, s19;
	s20 =	spop (v2sf)  }
0x2bf: {  	s10 =	smax.f32 s10, s20;
	s21 =	spop (v2sf)  }
0x2c0: {  	s10 =	smax.f32 s10, s21;
	s22 =	spop (v2sf)  }
0x2c1: {  	s10 =	smax.f32 s10, s22;
	s23 =	spop (v2sf)  }
0x2c2: {  	s10 =	smax.f32 s10, s23;
	s24 =	spop (v2sf)  }
0x2c3: {  	s10 =	smax.f32 s10, s24;
	s25 =	spop (v2sf)  }
0x2c4: {  	s10 =	smax.f32 s10, s25;
	s26 =	spop (v2sf)  }
0x2c5: {  	s10 =	smax.f32 s10, s26;
	s28 =	spop (v2sf)  }
0x2c6: {  	s10 =	smax.f32 s10, s28;
	s29 =	spop (v2sf)  }
0x2c7: {  	s10 =	smax.f32 s10, s29;
	s30 =	spop (v2sf)  }
0x2c8: {  	s10 =	smax.f32 s10, s30;
	s31 =	spop (v2sf)  }
.Ltmp20:
0x2c9: {  	s10 =	smax.f32 s10, s31;
	(pc) =	sbr.rel .LBB2_38-.Ltmp20, $4  }
0x2ca: {  	p1 =	sge.f32 s10, $0.0e+00  }
0x2cb: {  	s10 =	simm.s32 $0x1  }
0x2cc: {  	s10 =	simm.s32 @!p1 $0x0  }
0x2cd: {  	[smem:$0x0] =	sst s10  }
.LBB2_39:
0x2ce: {  	s10 =	simm.s32 $0x8260  }
0x2cf: {  	s9 =	simm.s32 $0x60;
	v4 =	vld [tilespmem:s10+$0x50]  }
0x2d0: {  	v6 =	vld [tilespmem:s9+$0x50]  }
0x2d1: {  	v7 =	vld [tilespmem:s10+$0xFFFFFFF0]  }
0x2d2: {  	v8 =	vld [tilespmem:s10+$0x0]  }
0x2d3: {  	v9 =	vld [tilespmem:s10+$0x10]  }
0x2d4: {  	v10 =	vld [tilespmem:s10+$0x20]  }
0x2d5: {  	v11 =	vld [tilespmem:s10+$0x30]  }
0x2d6: {  	v12 =	vld [tilespmem:s10+$0x40]  }
0x2d7: {  	v13 =	vld [tilespmem:s10+$0xFFFFFFE0]  }
0x2d8: {  	v14 =	vld [tilespmem:s9+$0xFFFFFFE0]  }
0x2d9: {  	v15 =	vld [tilespmem:s9+$0xFFFFFFF0]  }
0x2da: {  	v5 =	vld [tilespmem:s9+$0x0]  }
0x2db: {  	vm0 =	vgt.f32 v4, $0.0e+00;
	vm5 =	vgt.f32 v7, $0.0e+00;
	v4 =	vld [tilespmem:s9+$0x10]  }
0x2dc: {  	s10 =	simm.s32 $0xC360;
	vm3 =	vgt.f32 v8, $0.0e+00;
	v7 =	vnsel vm0, $0x0, v6;
	vm0 =	vgt.f32 v13, $0.0e+00;
	v6 =	vld [tilespmem:s9+$0x20]  }
0x2dd: {  	vm4 =	vgt.f32 v9, $0.0e+00;
	vm1 =	vgt.f32 v10, $0.0e+00;
	[tilespmem:s10+$0x50] =	vst v7;
	v8 =	vnsel vm0, $0x0, v14;
	v7 =	vld [tilespmem:s9+$0x30]  }
0x2de: {  	s11 =	simm.s32 $0x40;
	s12 =	simm.s32 $0x82E0;
	vm2 =	vgt.f32 v11, $0.0e+00;
	v9 =	vnsel vm5, $0x0, v15;
	vm0 =	vgt.f32 v12, $0.0e+00;
	[tilespmem:s10+$0xFFFFFFE0] =	vst v8;
	v8 =	vld [tilespmem:s9+$0x40]  }
.LBB2_40:
0x2df: {  	v10 =	vld [tilespmem:s12+$0x50];
	s11 =	sadd.s32 $0x80, s11;
	[tilespmem:s10+$0xFFFFFFF0] =	vst v9;
	v5 =	vnsel vm3, $0x0, v5;
	s9 =	sadd.s32 $0x80, s9  }
0x2e0: {  	v9 =	vld [tilespmem:s9+$0x50];
	p1 =	slt.u32 s11, $0x3FC0;
	[tilespmem:s10+$0x0] =	vst v5;
	v4 =	vnsel vm4, $0x0, v4  }
0x2e1: {  	v5 =	vld [tilespmem:s12+$0xFFFFFFF0];
	[tilespmem:s10+$0x10] =	vst v4;
	v4 =	vnsel vm1, $0x0, v6  }
0x2e2: {  	v6 =	vld [tilespmem:s12+$0x0];
	[tilespmem:s10+$0x20] =	vst v4;
	v4 =	vnsel vm2, $0x0, v7  }
0x2e3: {  	v7 =	vld [tilespmem:s12+$0x10];
	[tilespmem:s10+$0x30] =	vst v4;
	v4 =	vnsel vm0, $0x0, v8  }
0x2e4: {  	v8 =	vld [tilespmem:s12+$0x20];
	vm0 =	vgt.f32 v10, $0.0e+00;
	[tilespmem:s10+$0x40] =	vst v4  }
0x2e5: {  	s10 =	sadd.s32 $0x80, s10;
	v4 =	vld [tilespmem:s12+$0x30];
	v9 =	vnsel vm0, $0x0, v9  }
0x2e6: {  	vm5 =	vgt.f32 v5, $0.0e+00;
	v10 =	vld [tilespmem:s12+$0x40];
	[tilespmem:s10+$0x50] =	vst v9  }
0x2e7: {  	v9 =	vld [tilespmem:s12+$0xFFFFFFE0];
	vm3 =	vgt.f32 v6, $0.0e+00  }
0x2e8: {  	v11 =	vld [tilespmem:s9+$0xFFFFFFE0];
	vm4 =	vgt.f32 v7, $0.0e+00  }
0x2e9: {  	v12 =	vld [tilespmem:s9+$0xFFFFFFF0];
	vm1 =	vgt.f32 v8, $0.0e+00  }
.Ltmp21:
0x2ea: {  	v5 =	vld [tilespmem:s9+$0x0];
	vm2 =	vgt.f32 v4, $0.0e+00;
	(pc) =	sbr.rel @p1 .LBB2_40-.Ltmp21, $4  }
0x2eb: {  	v4 =	vld [tilespmem:s9+$0x10];
	vm0 =	vgt.f32 v10, $0.0e+00  }
0x2ec: {  	vm6 =	vgt.f32 v9, $0.0e+00;
	v6 =	vld [tilespmem:s9+$0x20]  }
0x2ed: {  	v8 =	vnsel vm6, $0x0, v11;
	v7 =	vld [tilespmem:s9+$0x30]  }
0x2ee: {  	s12 =	sadd.s32 $0x80, s12;
	[tilespmem:s10+$0xFFFFFFE0] =	vst v8;
	v9 =	vnsel vm5, $0x0, v12;
	v8 =	vld [tilespmem:s9+$0x40]  }
0x2ef: {  	[tilespmem:s10+$0xFFFFFFF0] =	vst v9;
	v5 =	vnsel vm3, $0x0, v5  }
0x2f0: {  	[tilespmem:s10+$0x0] =	vst v5;
	v4 =	vnsel vm4, $0x0, v4  }
0x2f1: {  	[tilespmem:s10+$0x10] =	vst v4;
	v4 =	vnsel vm1, $0x0, v6  }
0x2f2: {  	[tilespmem:s10+$0x20] =	vst v4;
	v4 =	vnsel vm2, $0x0, v7  }
0x2f3: {  	s8 =	sadd.s32 $0x1, s8;
	[tilespmem:s10+$0x30] =	vst v4;
	v4 =	vnsel vm0, $0x0, v8  }
0x2f4: {  	s9 =	simm.s32 @!p0 $0x0;
	p1 =	sne.s32 s8, s5;
	[tilespmem:s10+$0x40] =	vst v4;
	s10 =	simm.s32 @!p0 $0xC340  }
0x2f5: {  	[hbm4b:s4+s9] =	stream.linear.scatter @!p0 [tilespmem:s10], [sflag:$0x1], $0x4000, $0x38;
	[tilespmem:$0x14500] =	vst v63  }
.Ltmp22:
0x2f6: {  	_ = 	snop;
	(pc) =	sbr.rel @p1 .LBB2_1-.Ltmp22, $4  }
0x2f7: {  	s9 =	simm.s32 @!p0 $0x1  }
0x2f8: {  	_ =	swait.ge @!p0 [sflag:s9], $0x4000  }
0x2f9: {  	[sflag:s9] =	ssyncset.done @!p0 $0x0  }
0x2fa: {  	[sflag:s9] =	ssyncadd.s32 @!p0 $0xFFFFC000  }
0x2fb: {  	_ =	sfence.sel $0x180000  }
0x2fc: {  	[bflag:$0x0] =	sbarrier.arrive $0xFFFF  }
0x2fd: {  	p0 =	sne.s32 s1, $0x0;
	_ =	strace $0x90000047  }
0x2fe: {  	s0 =	sadd.s32 @!p0 $0x100000, s0;
	[bflag:$0x2] =	sbarrier.arrive $0xFFFF  }
0x2ff: {  	[sflag:s0] =	ssyncadd.tile.s32 @!p0 $0x1;
	_ =	shalt  }
.Lfunc_end2:
_tile_overlayer_lowered:
.L_overlay_start_2:
0x300: {  	(tag) =	ssettag $0x2  }
0x301: {  	s0 =	rddreg [dreg:$0x0];
	s2 =	stileid.u32  }
0x302: {  	s1 =	rddreg [dreg:$0x1];
	p0 =	sne.s32 s2, $0x0  }
0x303: {  	s3 =	rddreg [dreg:$0x2];
	[bflag:$0x3] =	sbarrier.arrive $0xFFFF;
	s2 =	simm.s32 @!p0 $0x1C01  }
0x304: {  	[timem:s3], [sflag:s2] =	dma.local @!p0 [hbm:s0], s1  }
0x305: {  	s0 =	simm.s32 @!p0 $0x1  }
0x306: {  	_ =	swait.ge @!p0 [sflag:s0], s1  }
0x307: {  	s1 =	ssub.s32 @!p0 $0x0, s1;
	[sflag:s0] =	ssyncset.done @!p0 $0x0  }
0x308: {  	[sflag:s0] =	ssyncadd.s32 @!p0 s1  }
0x309: {  	[bflag:$0x3] =	sbarrier.arrive $0xFFFF  }
0x30a: {  	_ =	shalt  }

</sc_bundles>
